<compile_context>
chip_gen: v7x
topology: tpu7x:2x2x1
jax: 0.10.2.dev20260603
libtpu: 0.0.44.dev20260713+nightly
codegen_flags: <defaults>
</compile_context>

<pallas_src>
import functools

import jax
import jax.numpy as jnp
from jax import lax
from jax.experimental import pallas as pl
from jax.experimental.pallas import tpu as pltpu
from jax.experimental.pallas import tpu_sc as plsc

_B, _T, _C = 1024, 50, 1024
_BT = _B * _T
_NC, _NS, _L = 2, 16, 16
_NW = _NC * _NS
_BPW = _BT // _NW
_CH = 16
_NCH = _BPW // _CH
_NBUF = 4


def _lse_body(table_ref, lse_ref):
    t = table_ref[...]
    m = jnp.max(t, axis=1, keepdims=True)
    s = jnp.sum(jnp.exp(t - m), axis=1, keepdims=True)
    lse_ref[...] = (jnp.log(s) + m)[:, 0]


_lse_call = pl.pallas_call(
    _lse_body,
    out_shape=jax.ShapeDtypeStruct((_C,), jnp.float32),
)


def _sc_body(x_hbm, y_hbm, table_hbm, lse_hbm, out_hbm, part_hbm,
             idx_v, y_v, lse_v, rows_v, acc_v, gsems, ssems):
    sid = lax.axis_index("s")
    wid = sid * _NC + lax.axis_index("c")
    base = wid * _BPW
    pltpu.sync_copy(lse_hbm, lse_v)
    pltpu.sync_copy(x_hbm.at[pl.ds(base, _BPW)], idx_v)
    pltpu.sync_copy(y_hbm.at[pl.ds(base, _BPW)], y_v)
    acc_v[...] = jnp.zeros((_L,), jnp.float32)

    def gather(c, b):
        return pltpu.make_async_copy(
            table_hbm.at[idx_v.at[pl.ds(c * _CH, _CH)]], rows_v.at[b],
            gsems.at[b])

    def scatter(c, b):
        return pltpu.make_async_copy(
            rows_v.at[b], out_hbm.at[pl.ds(base + c * _CH, _CH)], ssems.at[b])

    for r in range(_NBUF - 1):
        gather(r, r).start()

    @pl.loop(0, _NCH, step=_NBUF)
    def _outer(c0):
        for b in range(_NBUF):
            c = c0 + b
            gather(c, b).wait()
            scatter(c, b).start()
            xv = idx_v[pl.ds(c * _CH, _L)]
            yv = y_v[pl.ds(c * _CH, _L)]
            rid = lax.iota(jnp.int32, _L)
            lseg = plsc.load_gather(lse_v, [xv])
            val = plsc.load_gather(rows_v.at[b], [rid, yv])
            acc_v[...] = acc_v[...] + (lseg - val)
            nb = (b + _NBUF - 1) % _NBUF

            @pl.when(c + _NBUF - 1 < _NCH)
            def _():
                @pl.when(c >= 1)
                def _():
                    scatter(c - 1, nb).wait()
                gather(c + _NBUF - 1, nb).start()

    for b in range(_NBUF):
        scatter(_NCH - _NBUF + b, b).wait()

    pltpu.sync_copy(acc_v, part_hbm.at[wid])


_sc_call = pl.kernel(
    _sc_body,
    out_type=[jax.ShapeDtypeStruct((_BT, _C), jnp.float32),
              jax.ShapeDtypeStruct((_NW, _L), jnp.float32)],
    mesh=plsc.VectorSubcoreMesh(core_axis_name="c", subcore_axis_name="s",
                                num_cores=_NC, num_subcores=_NS),
    compiler_params=pltpu.CompilerParams(needs_layout_passes=False),
    scratch_types=[
        pltpu.VMEM((_BPW,), jnp.int32),
        pltpu.VMEM((_BPW,), jnp.int32),
        pltpu.VMEM((_C,), jnp.float32),
        pltpu.VMEM((_NBUF, _CH, _C), jnp.float32),
        pltpu.VMEM((_L,), jnp.float32),
        pltpu.SemaphoreType.DMA((_NBUF,)),
        pltpu.SemaphoreType.DMA((_NBUF,)),
    ],
)


def kernel(x, y, table):
    xf = x.reshape(_BT)
    yf = y.reshape(_BT)
    lse = _lse_call(table)
    logits2, part = _sc_call(xf, yf, table, lse)
    loss = jnp.sum(part) / _BT
    return (logits2, loss)

# --- scband reference (transcript-rebuilt; emitter-appended) ---
"""Pipeline reference for scband-bigram-language-model-28870770164176 (READ-ONLY COPY).

The authoritative reference and input builder live on the scoring server;
editing this copy changes nothing except your own understanding.
"""

import jax, jax.numpy as jnp
import numpy as np

B, T, C = 1024, 50, 1024

def setup_inputs(seed: int = 0) -> dict:
    key = jax.random.key(seed)
    k1, k2, k3 = jax.random.split(key, 3)
    x = jax.random.randint(k1, (B, T), 0, C, dtype=jnp.int32)
    y = jax.random.randint(k2, (B, T), 0, C, dtype=jnp.int32)
    # learned parameter: nn.Embedding(C, C) weight
    table = jax.random.normal(k3, (C, C), dtype=jnp.float32)
    return {"x": x, "y": y, "table": table}

def reference(x, y, table):
    # logits = embedding(x): gather rows of the CxC table
    logits = jnp.take(table, x, axis=0)          # (B, T, C)
    Bv, Tv, Cv = logits.shape
    logits2 = logits.reshape(Bv * Tv, Cv)        # torch view(B*T, C)
    targets = y.reshape(Bv * Tv)
    # cross_entropy with mean reduction
    logp = jax.nn.log_softmax(logits2, axis=-1)
    nll = -jnp.take_along_axis(logp, targets[:, None].astype(jnp.int32), axis=1)[:, 0]
    loss = jnp.mean(nll)
    return (logits2, loss)

if __name__ == "__main__":
    import jax
    _d = setup_inputs()
    print(jax.jit(kernel)(*tuple(_d.values())))

</pallas_src>

<mosaic_0001>
#map = affine_map<(d0, d1) -> (0)>
#map1 = affine_map<(d0, d1) -> (0, 0)>
module attributes {stable_mosaic.version = 14 : i64} {
  func.func @_sc_body(%arg0: i32, %arg1: i32, %arg2: memref<51200xi32, #tpu.memory_space<hbm>>, %arg3: memref<51200xi32, #tpu.memory_space<hbm>>, %arg4: memref<1024x1024xf32, #tpu.memory_space<hbm>>, %arg5: memref<1024xf32, #tpu.memory_space<hbm>>, %arg6: memref<51200x1024xf32, #tpu.memory_space<hbm>>, %arg7: memref<32x16xf32, #tpu.memory_space<hbm>>, %arg8: memref<1600xi32, #tpu.memory_space<vmem>>, %arg9: memref<1600xi32, #tpu.memory_space<vmem>>, %arg10: memref<1024xf32, #tpu.memory_space<vmem>>, %arg11: memref<4x16x1024xf32, #tpu.memory_space<vmem>>, %arg12: memref<16xf32, #tpu.memory_space<vmem>>, %arg13: memref<4x!tpu.dma_semaphore, #tpu.memory_space<semaphore_mem>>, %arg14: memref<4x!tpu.dma_semaphore, #tpu.memory_space<semaphore_mem>>) attributes {dimension_semantics = [#tpu.dimension_semantics<core_parallel>, #tpu.dimension_semantics<subcore_parallel>], iteration_bounds = array<i64: 2, 16>, scalar_prefetch = 0 : i64, scratch_operands = 7 : i64, tpu.core_type = #tpu.core_type<sc_vector_subcore>, window_params = [{transform_indices = #map}, {transform_indices = #map}, {transform_indices = #map1}, {transform_indices = #map}, {transform_indices = #map1}, {transform_indices = #map1}]} {
    %mul3A = arith.constant 2 : i32
    %mul3A_0 = arith.muli %arg1, %mul3A : i32
    %add3A = arith.addi %mul3A_0, %arg0 : i32
    %mul3A_1 = arith.constant 1600 : i32
    %mul3A_2 = arith.muli %add3A, %mul3A_1 : i32
    "tpu.region"() ({
      %run_scoped3A = tpu.sem_alloc : memref<!tpu.dma_semaphore, #tpu.memory_space<semaphore_mem>>
      tpu.enqueue_dma source(%arg5 : memref<1024xf32, #tpu.memory_space<hbm>>) target(%arg10 : memref<1024xf32, #tpu.memory_space<vmem>>) target_semaphore(%run_scoped3A : memref<!tpu.dma_semaphore, #tpu.memory_space<semaphore_mem>>)
      tpu.wait_dma2 semaphore(%run_scoped3A : memref<!tpu.dma_semaphore, #tpu.memory_space<semaphore_mem>>) src(%arg5 : memref<1024xf32, #tpu.memory_space<hbm>>) dst(%arg10 : memref<1024xf32, #tpu.memory_space<vmem>>)
      tpu.yield
    }) : () -> ()
    "tpu.region"() ({
      %run_scoped3A = tpu.sem_alloc : memref<!tpu.dma_semaphore, #tpu.memory_space<semaphore_mem>>
      %dma_start3A_118 = tpu.memref_slice %arg2[%mul3A_2] : memref<51200xi32, #tpu.memory_space<hbm>> -> memref<1600xi32, #tpu.memory_space<hbm>>
      %dma_start3A_119 = tpu.memref_slice %arg2[%mul3A_2] : memref<51200xi32, #tpu.memory_space<hbm>> -> memref<1600xi32, #tpu.memory_space<hbm>>
      tpu.enqueue_dma source(%dma_start3A_119 : memref<1600xi32, #tpu.memory_space<hbm>>) target(%arg8 : memref<1600xi32, #tpu.memory_space<vmem>>) target_semaphore(%run_scoped3A : memref<!tpu.dma_semaphore, #tpu.memory_space<semaphore_mem>>)
      %dma_wait3A_120 = tpu.memref_slice %arg2[%mul3A_2] : memref<51200xi32, #tpu.memory_space<hbm>> -> memref<1600xi32, #tpu.memory_space<hbm>>
      %dma_wait3A_121 = tpu.memref_slice %arg2[%mul3A_2] : memref<51200xi32, #tpu.memory_space<hbm>> -> memref<1600xi32, #tpu.memory_space<hbm>>
      tpu.wait_dma2 semaphore(%run_scoped3A : memref<!tpu.dma_semaphore, #tpu.memory_space<semaphore_mem>>) src(%dma_wait3A_121 : memref<1600xi32, #tpu.memory_space<hbm>>) dst(%arg8 : memref<1600xi32, #tpu.memory_space<vmem>>)
      tpu.yield
    }) : () -> ()
    "tpu.region"() ({
      %run_scoped3A = tpu.sem_alloc : memref<!tpu.dma_semaphore, #tpu.memory_space<semaphore_mem>>
      %dma_start3A_118 = tpu.memref_slice %arg3[%mul3A_2] : memref<51200xi32, #tpu.memory_space<hbm>> -> memref<1600xi32, #tpu.memory_space<hbm>>
      %dma_start3A_119 = tpu.memref_slice %arg3[%mul3A_2] : memref<51200xi32, #tpu.memory_space<hbm>> -> memref<1600xi32, #tpu.memory_space<hbm>>
      tpu.enqueue_dma source(%dma_start3A_119 : memref<1600xi32, #tpu.memory_space<hbm>>) target(%arg9 : memref<1600xi32, #tpu.memory_space<vmem>>) target_semaphore(%run_scoped3A : memref<!tpu.dma_semaphore, #tpu.memory_space<semaphore_mem>>)
      %dma_wait3A_120 = tpu.memref_slice %arg3[%mul3A_2] : memref<51200xi32, #tpu.memory_space<hbm>> -> memref<1600xi32, #tpu.memory_space<hbm>>
      %dma_wait3A_121 = tpu.memref_slice %arg3[%mul3A_2] : memref<51200xi32, #tpu.memory_space<hbm>> -> memref<1600xi32, #tpu.memory_space<hbm>>
      tpu.wait_dma2 semaphore(%run_scoped3A : memref<!tpu.dma_semaphore, #tpu.memory_space<semaphore_mem>>) src(%dma_wait3A_121 : memref<1600xi32, #tpu.memory_space<hbm>>) dst(%arg9 : memref<1600xi32, #tpu.memory_space<vmem>>)
      tpu.yield
    }) : () -> ()
    %broadcast_in_dim3A = arith.constant 0.000000e+00 : f32
    %broadcast_in_dim3A_3 = vector.broadcast %broadcast_in_dim3A : f32 to vector<16xf32>
    %swap3A = arith.constant 0 : index
    %swap3A_4 = tpu.vector_load %arg12[%swap3A] {strides = array<i32>} : memref<16xf32, #tpu.memory_space<vmem>>, vector<16xf32>,
    tpu.vector_store %arg12[%swap3A], %broadcast_in_dim3A_3 {strides = array<i32>} : memref<16xf32, #tpu.memory_space<vmem>>, vector<16xf32>,
    %dma_start3A = arith.constant 0 : i32
    %dma_start3A_5 = arith.constant 0 : i32
    %dma_start3A_6 = arith.constant 0 : i32
    %dma_start3A_7 = arith.constant 0 : i32
    %dma_start3A_8 = tpu.memref_slice %arg11[%dma_start3A, %dma_start3A_6, %dma_start3A_7] : memref<4x16x1024xf32, #tpu.memory_space<vmem>> -> memref<1x16x1024xf32, #tpu.memory_space<vmem>>
    %dma_start3A_9 = tpu.memref_squeeze %dma_start3A_8 : memref<1x16x1024xf32, #tpu.memory_space<vmem>> -> memref<16x1024xf32, #tpu.memory_space<vmem>>
    %dma_start3A_10 = arith.constant 0 : i32
    %dma_start3A_11 = tpu.memref_slice %arg8[%dma_start3A_10] : memref<1600xi32, #tpu.memory_space<vmem>> -> memref<16xi32, #tpu.memory_space<vmem>>
    %dma_start3A_12 = arith.constant 0 : i32
    %dma_start3A_13 = arith.constant 0 : i32
    %dma_start3A_14 = tpu.memref_slice %arg4[%dma_start3A_12, %dma_start3A_13] : memref<1024x1024xf32, #tpu.memory_space<hbm>> -> memref<1024x1024xf32, #tpu.memory_space<hbm>>
    %dma_start3A_15 = tpu.memref_slice %arg13[%dma_start3A_5] : memref<4x!tpu.dma_semaphore, #tpu.memory_space<semaphore_mem>> -> memref<1x!tpu.dma_semaphore, #tpu.memory_space<semaphore_mem>>
    %dma_start3A_16 = tpu.memref_squeeze %dma_start3A_15 : memref<1x!tpu.dma_semaphore, #tpu.memory_space<semaphore_mem>> -> memref<!tpu.dma_semaphore, #tpu.memory_space<semaphore_mem>>
    tpu.enqueue_indirect_dma source(%dma_start3A_14 : memref<1024x1024xf32, #tpu.memory_space<hbm>>) target(%dma_start3A_9 : memref<16x1024xf32, #tpu.memory_space<vmem>>) offsets(%dma_start3A_11 : memref<16xi32, #tpu.memory_space<vmem>>) semaphore(%dma_start3A_16 : memref<!tpu.dma_semaphore, #tpu.memory_space<semaphore_mem>>)
    %dma_start3A_17 = arith.constant 1 : i32
    %dma_start3A_18 = arith.constant 1 : i32
    %dma_start3A_19 = arith.constant 0 : i32
    %dma_start3A_20 = arith.constant 0 : i32
    %dma_start3A_21 = tpu.memref_slice %arg11[%dma_start3A_17, %dma_start3A_19, %dma_start3A_20] : memref<4x16x1024xf32, #tpu.memory_space<vmem>> -> memref<1x16x1024xf32, #tpu.memory_space<vmem>>
    %dma_start3A_22 = tpu.memref_squeeze %dma_start3A_21 : memref<1x16x1024xf32, #tpu.memory_space<vmem>> -> memref<16x1024xf32, #tpu.memory_space<vmem>>
    %dma_start3A_23 = arith.constant 16 : i32
    %dma_start3A_24 = tpu.memref_slice %arg8[%dma_start3A_23] : memref<1600xi32, #tpu.memory_space<vmem>> -> memref<16xi32, #tpu.memory_space<vmem>>
    %dma_start3A_25 = arith.constant 0 : i32
    %dma_start3A_26 = arith.constant 0 : i32
    %dma_start3A_27 = tpu.memref_slice %arg4[%dma_start3A_25, %dma_start3A_26] : memref<1024x1024xf32, #tpu.memory_space<hbm>> -> memref<1024x1024xf32, #tpu.memory_space<hbm>>
    %dma_start3A_28 = tpu.memref_slice %arg13[%dma_start3A_18] : memref<4x!tpu.dma_semaphore, #tpu.memory_space<semaphore_mem>> -> memref<1x!tpu.dma_semaphore, #tpu.memory_space<semaphore_mem>>
    %dma_start3A_29 = tpu.memref_squeeze %dma_start3A_28 : memref<1x!tpu.dma_semaphore, #tpu.memory_space<semaphore_mem>> -> memref<!tpu.dma_semaphore, #tpu.memory_space<semaphore_mem>>
    tpu.enqueue_indirect_dma source(%dma_start3A_27 : memref<1024x1024xf32, #tpu.memory_space<hbm>>) target(%dma_start3A_22 : memref<16x1024xf32, #tpu.memory_space<vmem>>) offsets(%dma_start3A_24 : memref<16xi32, #tpu.memory_space<vmem>>) semaphore(%dma_start3A_29 : memref<!tpu.dma_semaphore, #tpu.memory_space<semaphore_mem>>)
    %dma_start3A_30 = arith.constant 2 : i32
    %dma_start3A_31 = arith.constant 2 : i32
    %dma_start3A_32 = arith.constant 0 : i32
    %dma_start3A_33 = arith.constant 0 : i32
    %dma_start3A_34 = tpu.memref_slice %arg11[%dma_start3A_30, %dma_start3A_32, %dma_start3A_33] : memref<4x16x1024xf32, #tpu.memory_space<vmem>> -> memref<1x16x1024xf32, #tpu.memory_space<vmem>>
    %dma_start3A_35 = tpu.memref_squeeze %dma_start3A_34 : memref<1x16x1024xf32, #tpu.memory_space<vmem>> -> memref<16x1024xf32, #tpu.memory_space<vmem>>
    %dma_start3A_36 = arith.constant 32 : i32
    %dma_start3A_37 = tpu.memref_slice %arg8[%dma_start3A_36] : memref<1600xi32, #tpu.memory_space<vmem>> -> memref<16xi32, #tpu.memory_space<vmem>>
    %dma_start3A_38 = arith.constant 0 : i32
    %dma_start3A_39 = arith.constant 0 : i32
    %dma_start3A_40 = tpu.memref_slice %arg4[%dma_start3A_38, %dma_start3A_39] : memref<1024x1024xf32, #tpu.memory_space<hbm>> -> memref<1024x1024xf32, #tpu.memory_space<hbm>>
    %dma_start3A_41 = tpu.memref_slice %arg13[%dma_start3A_31] : memref<4x!tpu.dma_semaphore, #tpu.memory_space<semaphore_mem>> -> memref<1x!tpu.dma_semaphore, #tpu.memory_space<semaphore_mem>>
    %dma_start3A_42 = tpu.memref_squeeze %dma_start3A_41 : memref<1x!tpu.dma_semaphore, #tpu.memory_space<semaphore_mem>> -> memref<!tpu.dma_semaphore, #tpu.memory_space<semaphore_mem>>
    tpu.enqueue_indirect_dma source(%dma_start3A_40 : memref<1024x1024xf32, #tpu.memory_space<hbm>>) target(%dma_start3A_35 : memref<16x1024xf32, #tpu.memory_space<vmem>>) offsets(%dma_start3A_37 : memref<16xi32, #tpu.memory_space<vmem>>) semaphore(%dma_start3A_42 : memref<!tpu.dma_semaphore, #tpu.memory_space<semaphore_mem>>)
    %scan3A = arith.constant 0 : i32
    %scan3A_43 = arith.constant 25 : i32
    %scan3A_44 = arith.addi %scan3A, %scan3A_43 : i32
    %scan3A_45 = arith.constant 1 : i32
    scf.for %scan3A_118 = %scan3A to %scan3A_44 step %scan3A_45  : i32 {
      %mul3A_119 = arith.constant 4 : i32
      %mul3A_120 = arith.muli %scan3A_118, %mul3A_119 : i32
      %add3A_121 = arith.constant 0 : i32
      %add3A_122 = arith.addi %add3A_121, %mul3A_120 : i32
      %add3A_123 = arith.constant 0 : i32
      %add3A_124 = arith.addi %add3A_122, %add3A_123 : i32
      %mul3A_125 = arith.constant 16 : i32
      %mul3A_126 = arith.muli %add3A_124, %mul3A_125 : i32
      %dma_wait3A_127 = arith.constant 0 : i32
      %dma_wait3A_128 = arith.constant 0 : i32
      %dma_wait3A_129 = arith.constant 0 : i32
      %dma_wait3A_130 = arith.constant 0 : i32
      %dma_wait3A_131 = tpu.memref_slice %arg11[%dma_wait3A_127, %dma_wait3A_129, %dma_wait3A_130] : memref<4x16x1024xf32, #tpu.memory_space<vmem>> -> memref<1x16x1024xf32, #tpu.memory_space<vmem>>
      %dma_wait3A_132 = tpu.memref_squeeze %dma_wait3A_131 : memref<1x16x1024xf32, #tpu.memory_space<vmem>> -> memref<16x1024xf32, #tpu.memory_space<vmem>>
      %dma_wait3A_133 = tpu.memref_slice %arg8[%mul3A_126] : memref<1600xi32, #tpu.memory_space<vmem>> -> memref<16xi32, #tpu.memory_space<vmem>>
      %dma_wait3A_134 = arith.constant 0 : i32
      %dma_wait3A_135 = arith.constant 0 : i32
      %dma_wait3A_136 = tpu.memref_slice %arg4[%dma_wait3A_134, %dma_wait3A_135] : memref<1024x1024xf32, #tpu.memory_space<hbm>> -> memref<1024x1024xf32, #tpu.memory_space<hbm>>
      %dma_wait3A_137 = tpu.memref_slice %arg13[%dma_wait3A_128] : memref<4x!tpu.dma_semaphore, #tpu.memory_space<semaphore_mem>> -> memref<1x!tpu.dma_semaphore, #tpu.memory_space<semaphore_mem>>
      %dma_wait3A_138 = tpu.memref_squeeze %dma_wait3A_137 : memref<1x!tpu.dma_semaphore, #tpu.memory_space<semaphore_mem>> -> memref<!tpu.dma_semaphore, #tpu.memory_space<semaphore_mem>>
      tpu.wait_indirect_dma semaphore(%dma_wait3A_138 : memref<!tpu.dma_semaphore, #tpu.memory_space<semaphore_mem>>) src(%dma_wait3A_136 : memref<1024x1024xf32, #tpu.memory_space<hbm>>) dst(%dma_wait3A_132 : memref<16x1024xf32, #tpu.memory_space<vmem>>)
      %mul3A_139 = arith.constant 16 : i32
      %mul3A_140 = arith.muli %add3A_124, %mul3A_139 : i32
      %add3A_141 = arith.addi %mul3A_2, %mul3A_140 : i32
      %dma_start3A_142 = arith.constant 0 : i32
      %dma_start3A_143 = arith.constant 0 : i32
      %dma_start3A_144 = arith.constant 0 : i32
      %dma_start3A_145 = arith.constant 0 : i32
      %dma_start3A_146 = tpu.memref_slice %arg11[%dma_start3A_142, %dma_start3A_144, %dma_start3A_145] : memref<4x16x1024xf32, #tpu.memory_space<vmem>> -> memref<1x16x1024xf32, #tpu.memory_space<vmem>>
      %dma_start3A_147 = tpu.memref_squeeze %dma_start3A_146 : memref<1x16x1024xf32, #tpu.memory_space<vmem>> -> memref<16x1024xf32, #tpu.memory_space<vmem>>
      %dma_start3A_148 = arith.constant 0 : i32
      %dma_start3A_149 = tpu.memref_slice %arg6[%add3A_141, %dma_start3A_148] : memref<51200x1024xf32, #tpu.memory_space<hbm>> -> memref<16x1024xf32, #tpu.memory_space<hbm>>
      %dma_start3A_150 = tpu.memref_slice %arg14[%dma_start3A_143] : memref<4x!tpu.dma_semaphore, #tpu.memory_space<semaphore_mem>> -> memref<1x!tpu.dma_semaphore, #tpu.memory_space<semaphore_mem>>
      %dma_start3A_151 = tpu.memref_squeeze %dma_start3A_150 : memref<1x!tpu.dma_semaphore, #tpu.memory_space<semaphore_mem>> -> memref<!tpu.dma_semaphore, #tpu.memory_space<semaphore_mem>>
      %dma_start3A_152 = arith.constant 0 : i32
      %dma_start3A_153 = tpu.memref_slice %arg6[%add3A_141, %dma_start3A_152] : memref<51200x1024xf32, #tpu.memory_space<hbm>> -> memref<16x1024xf32, #tpu.memory_space<hbm>>
      %dma_start3A_154 = arith.constant 0 : i32
      %dma_start3A_155 = arith.constant 0 : i32
      %dma_start3A_156 = tpu.memref_slice %arg11[%dma_start3A_142, %dma_start3A_154, %dma_start3A_155] : memref<4x16x1024xf32, #tpu.memory_space<vmem>> -> memref<1x16x1024xf32, #tpu.memory_space<vmem>>
      %dma_start3A_157 = tpu.memref_squeeze %dma_start3A_156 : memref<1x16x1024xf32, #tpu.memory_space<vmem>> -> memref<16x1024xf32, #tpu.memory_space<vmem>>
      tpu.enqueue_dma source(%dma_start3A_157 : memref<16x1024xf32, #tpu.memory_space<vmem>>) target(%dma_start3A_153 : memref<16x1024xf32, #tpu.memory_space<hbm>>) target_semaphore(%dma_start3A_151 : memref<!tpu.dma_semaphore, #tpu.memory_space<semaphore_mem>>)
      %mul3A_158 = arith.constant 16 : i32
      %mul3A_159 = arith.muli %add3A_124, %mul3A_158 : i32
      %get3A = arith.index_cast %mul3A_159 : i32 to index
      %get3A_160 = tpu.vector_load %arg8[%get3A] {strides = array<i32>} : memref<1600xi32, #tpu.memory_space<vmem>>, vector<16xi32>,
      %mul3A_161 = arith.constant 16 : i32
      %mul3A_162 = arith.muli %add3A_124, %mul3A_161 : i32
      %get3A_163 = arith.index_cast %mul3A_162 : i32 to index
      %get3A_164 = tpu.vector_load %arg9[%get3A_163] {strides = array<i32>} : memref<1600xi32, #tpu.memory_space<vmem>>, vector<16xi32>,
      %iota3A = tpu.iota {dimensions = array<i32: 0>} : vector<16xi32>
      %gather3A = tpu.vector_load_idx %arg10[%get3A_160] : memref<1024xf32, #tpu.memory_space<vmem>>[vector<16xi32>], vector<16xf32>,
      %gather3A_165 = arith.constant 0 : i32
      %gather3A_166 = arith.constant 0 : i32
      %gather3A_167 = arith.constant 0 : i32
      %gather3A_168 = tpu.memref_slice %arg11[%gather3A_165, %gather3A_166, %gather3A_167] : memref<4x16x1024xf32, #tpu.memory_space<vmem>> -> memref<1x16x1024xf32, #tpu.memory_space<vmem>>
      %gather3A_169 = tpu.memref_squeeze %gather3A_168 : memref<1x16x1024xf32, #tpu.memory_space<vmem>> -> memref<16x1024xf32, #tpu.memory_space<vmem>>
      %gather3A_170 = tpu.vector_load_idx %gather3A_169[%iota3A, %get3A_164] : memref<16x1024xf32, #tpu.memory_space<vmem>>[vector<16xi32>, vector<16xi32>], vector<16xf32>,
      %get3A_171 = arith.constant 0 : index
      %get3A_172 = tpu.vector_load %arg12[%get3A_171] {strides = array<i32>} : memref<16xf32, #tpu.memory_space<vmem>>, vector<16xf32>,
      %sub3A = arith.subf %gather3A, %gather3A_170 : vector<16xf32>
      %add3A_173 = arith.addf %get3A_172, %sub3A : vector<16xf32>
      %swap3A_174 = arith.constant 0 : index
      %swap3A_175 = tpu.vector_load %arg12[%swap3A_174] {strides = array<i32>} : memref<16xf32, #tpu.memory_space<vmem>>, vector<16xf32>,
      tpu.vector_store %arg12[%swap3A_174], %add3A_173 {strides = array<i32>} : memref<16xf32, #tpu.memory_space<vmem>>, vector<16xf32>,
      %add3A_176 = arith.constant 4 : i32
      %add3A_177 = arith.addi %add3A_124, %add3A_176 : i32
      %sub3A_178 = arith.constant 1 : i32
      %sub3A_179 = arith.subi %add3A_177, %sub3A_178 : i32
      %lt3A = arith.constant 100 : i32
      %lt3A_180 = arith.cmpi slt, %sub3A_179, %lt3A : i32
      %convert_element_type3A = arith.extui %lt3A_180 : i1 to i32
      %cond3A = arith.constant 0 : i32
      %cond3A_181 = arith.cmpi ne, %convert_element_type3A, %cond3A : i32
      scf.if %cond3A_181 {
        %ge3A = arith.constant 1 : i32
        %ge3A_380 = arith.cmpi sge, %add3A_124, %ge3A : i32
        %convert_element_type3A_381 = arith.extui %ge3A_380 : i1 to i32
        %cond3A_382 = arith.constant 0 : i32
        %cond3A_383 = arith.cmpi ne, %convert_element_type3A_381, %cond3A_382 : i32
        scf.if %cond3A_383 {
          %sub3A_402 = arith.constant 1 : i32
          %sub3A_403 = arith.subi %add3A_124, %sub3A_402 : i32
          %mul3A_404 = arith.constant 16 : i32
          %mul3A_405 = arith.muli %sub3A_403, %mul3A_404 : i32
          %add3A_406 = arith.addi %mul3A_2, %mul3A_405 : i32
          %dma_wait3A_407 = arith.constant 3 : i32
          %dma_wait3A_408 = arith.constant 3 : i32
          %dma_wait3A_409 = arith.constant 0 : i32
          %dma_wait3A_410 = arith.constant 0 : i32
          %dma_wait3A_411 = tpu.memref_slice %arg11[%dma_wait3A_407, %dma_wait3A_409, %dma_wait3A_410] : memref<4x16x1024xf32, #tpu.memory_space<vmem>> -> memref<1x16x1024xf32, #tpu.memory_space<vmem>>
          %dma_wait3A_412 = tpu.memref_squeeze %dma_wait3A_411 : memref<1x16x1024xf32, #tpu.memory_space<vmem>> -> memref<16x1024xf32, #tpu.memory_space<vmem>>
          %dma_wait3A_413 = arith.constant 0 : i32
          %dma_wait3A_414 = tpu.memref_slice %arg6[%add3A_406, %dma_wait3A_413] : memref<51200x1024xf32, #tpu.memory_space<hbm>> -> memref<16x1024xf32, #tpu.memory_space<hbm>>
          %dma_wait3A_415 = tpu.memref_slice %arg14[%dma_wait3A_408] : memref<4x!tpu.dma_semaphore, #tpu.memory_space<semaphore_mem>> -> memref<1x!tpu.dma_semaphore, #tpu.memory_space<semaphore_mem>>
          %dma_wait3A_416 = tpu.memref_squeeze %dma_wait3A_415 : memref<1x!tpu.dma_semaphore, #tpu.memory_space<semaphore_mem>> -> memref<!tpu.dma_semaphore, #tpu.memory_space<semaphore_mem>>
          %dma_wait3A_417 = arith.constant 0 : i32
          %dma_wait3A_418 = tpu.memref_slice %arg6[%add3A_406, %dma_wait3A_417] : memref<51200x1024xf32, #tpu.memory_space<hbm>> -> memref<16x1024xf32, #tpu.memory_space<hbm>>
          %dma_wait3A_419 = arith.constant 0 : i32
          %dma_wait3A_420 = arith.constant 0 : i32
          %dma_wait3A_421 = tpu.memref_slice %arg11[%dma_wait3A_407, %dma_wait3A_419, %dma_wait3A_420] : memref<4x16x1024xf32, #tpu.memory_space<vmem>> -> memref<1x16x1024xf32, #tpu.memory_space<vmem>>
          %dma_wait3A_422 = tpu.memref_squeeze %dma_wait3A_421 : memref<1x16x1024xf32, #tpu.memory_space<vmem>> -> memref<16x1024xf32, #tpu.memory_space<vmem>>
          tpu.wait_dma2 semaphore(%dma_wait3A_416 : memref<!tpu.dma_semaphore, #tpu.memory_space<semaphore_mem>>) src(%dma_wait3A_422 : memref<16x1024xf32, #tpu.memory_space<vmem>>) dst(%dma_wait3A_418 : memref<16x1024xf32, #tpu.memory_space<hbm>>)
        } else {
        }
        %add3A_384 = arith.constant 4 : i32
        %add3A_385 = arith.addi %add3A_124, %add3A_384 : i32
        %sub3A_386 = arith.constant 1 : i32
        %sub3A_387 = arith.subi %add3A_385, %sub3A_386 : i32
        %mul3A_388 = arith.constant 16 : i32
        %mul3A_389 = arith.muli %sub3A_387, %mul3A_388 : i32
        %dma_start3A_390 = arith.constant 3 : i32
        %dma_start3A_391 = arith.constant 3 : i32
        %dma_start3A_392 = arith.constant 0 : i32
        %dma_start3A_393 = arith.constant 0 : i32
        %dma_start3A_394 = tpu.memref_slice %arg11[%dma_start3A_390, %dma_start3A_392, %dma_start3A_393] : memref<4x16x1024xf32, #tpu.memory_space<vmem>> -> memref<1x16x1024xf32, #tpu.memory_space<vmem>>
        %dma_start3A_395 = tpu.memref_squeeze %dma_start3A_394 : memref<1x16x1024xf32, #tpu.memory_space<vmem>> -> memref<16x1024xf32, #tpu.memory_space<vmem>>
        %dma_start3A_396 = tpu.memref_slice %arg8[%mul3A_389] : memref<1600xi32, #tpu.memory_space<vmem>> -> memref<16xi32, #tpu.memory_space<vmem>>
        %dma_start3A_397 = arith.constant 0 : i32
        %dma_start3A_398 = arith.constant 0 : i32
        %dma_start3A_399 = tpu.memref_slice %arg4[%dma_start3A_397, %dma_start3A_398] : memref<1024x1024xf32, #tpu.memory_space<hbm>> -> memref<1024x1024xf32, #tpu.memory_space<hbm>>
        %dma_start3A_400 = tpu.memref_slice %arg13[%dma_start3A_391] : memref<4x!tpu.dma_semaphore, #tpu.memory_space<semaphore_mem>> -> memref<1x!tpu.dma_semaphore, #tpu.memory_space<semaphore_mem>>
        %dma_start3A_401 = tpu.memref_squeeze %dma_start3A_400 : memref<1x!tpu.dma_semaphore, #tpu.memory_space<semaphore_mem>> -> memref<!tpu.dma_semaphore, #tpu.memory_space<semaphore_mem>>
        tpu.enqueue_indirect_dma source(%dma_start3A_399 : memref<1024x1024xf32, #tpu.memory_space<hbm>>) target(%dma_start3A_395 : memref<16x1024xf32, #tpu.memory_space<vmem>>) offsets(%dma_start3A_396 : memref<16xi32, #tpu.memory_space<vmem>>) semaphore(%dma_start3A_401 : memref<!tpu.dma_semaphore, #tpu.memory_space<semaphore_mem>>)
      } else {
      }
      %add3A_182 = arith.constant 1 : i32
      %add3A_183 = arith.addi %add3A_122, %add3A_182 : i32
      %mul3A_184 = arith.constant 16 : i32
      %mul3A_185 = arith.muli %add3A_183, %mul3A_184 : i32
      %dma_wait3A_186 = arith.constant 1 : i32
      %dma_wait3A_187 = arith.constant 1 : i32
      %dma_wait3A_188 = arith.constant 0 : i32
      %dma_wait3A_189 = arith.constant 0 : i32
      %dma_wait3A_190 = tpu.memref_slice %arg11[%dma_wait3A_186, %dma_wait3A_188, %dma_wait3A_189] : memref<4x16x1024xf32, #tpu.memory_space<vmem>> -> memref<1x16x1024xf32, #tpu.memory_space<vmem>>
      %dma_wait3A_191 = tpu.memref_squeeze %dma_wait3A_190 : memref<1x16x1024xf32, #tpu.memory_space<vmem>> -> memref<16x1024xf32, #tpu.memory_space<vmem>>
      %dma_wait3A_192 = tpu.memref_slice %arg8[%mul3A_185] : memref<1600xi32, #tpu.memory_space<vmem>> -> memref<16xi32, #tpu.memory_space<vmem>>
      %dma_wait3A_193 = arith.constant 0 : i32
      %dma_wait3A_194 = arith.constant 0 : i32
      %dma_wait3A_195 = tpu.memref_slice %arg4[%dma_wait3A_193, %dma_wait3A_194] : memref<1024x1024xf32, #tpu.memory_space<hbm>> -> memref<1024x1024xf32, #tpu.memory_space<hbm>>
      %dma_wait3A_196 = tpu.memref_slice %arg13[%dma_wait3A_187] : memref<4x!tpu.dma_semaphore, #tpu.memory_space<semaphore_mem>> -> memref<1x!tpu.dma_semaphore, #tpu.memory_space<semaphore_mem>>
      %dma_wait3A_197 = tpu.memref_squeeze %dma_wait3A_196 : memref<1x!tpu.dma_semaphore, #tpu.memory_space<semaphore_mem>> -> memref<!tpu.dma_semaphore, #tpu.memory_space<semaphore_mem>>
      tpu.wait_indirect_dma semaphore(%dma_wait3A_197 : memref<!tpu.dma_semaphore, #tpu.memory_space<semaphore_mem>>) src(%dma_wait3A_195 : memref<1024x1024xf32, #tpu.memory_space<hbm>>) dst(%dma_wait3A_191 : memref<16x1024xf32, #tpu.memory_space<vmem>>)
      %mul3A_198 = arith.constant 16 : i32
      %mul3A_199 = arith.muli %add3A_183, %mul3A_198 : i32
      %add3A_200 = arith.addi %mul3A_2, %mul3A_199 : i32
      %dma_start3A_201 = arith.constant 1 : i32
      %dma_start3A_202 = arith.constant 1 : i32
      %dma_start3A_203 = arith.constant 0 : i32
      %dma_start3A_204 = arith.constant 0 : i32
      %dma_start3A_205 = tpu.memref_slice %arg11[%dma_start3A_201, %dma_start3A_203, %dma_start3A_204] : memref<4x16x1024xf32, #tpu.memory_space<vmem>> -> memref<1x16x1024xf32, #tpu.memory_space<vmem>>
      %dma_start3A_206 = tpu.memref_squeeze %dma_start3A_205 : memref<1x16x1024xf32, #tpu.memory_space<vmem>> -> memref<16x1024xf32, #tpu.memory_space<vmem>>
      %dma_start3A_207 = arith.constant 0 : i32
      %dma_start3A_208 = tpu.memref_slice %arg6[%add3A_200, %dma_start3A_207] : memref<51200x1024xf32, #tpu.memory_space<hbm>> -> memref<16x1024xf32, #tpu.memory_space<hbm>>
      %dma_start3A_209 = tpu.memref_slice %arg14[%dma_start3A_202] : memref<4x!tpu.dma_semaphore, #tpu.memory_space<semaphore_mem>> -> memref<1x!tpu.dma_semaphore, #tpu.memory_space<semaphore_mem>>
      %dma_start3A_210 = tpu.memref_squeeze %dma_start3A_209 : memref<1x!tpu.dma_semaphore, #tpu.memory_space<semaphore_mem>> -> memref<!tpu.dma_semaphore, #tpu.memory_space<semaphore_mem>>
      %dma_start3A_211 = arith.constant 0 : i32
      %dma_start3A_212 = tpu.memref_slice %arg6[%add3A_200, %dma_start3A_211] : memref<51200x1024xf32, #tpu.memory_space<hbm>> -> memref<16x1024xf32, #tpu.memory_space<hbm>>
      %dma_start3A_213 = arith.constant 0 : i32
      %dma_start3A_214 = arith.constant 0 : i32
      %dma_start3A_215 = tpu.memref_slice %arg11[%dma_start3A_201, %dma_start3A_213, %dma_start3A_214] : memref<4x16x1024xf32, #tpu.memory_space<vmem>> -> memref<1x16x1024xf32, #tpu.memory_space<vmem>>
      %dma_start3A_216 = tpu.memref_squeeze %dma_start3A_215 : memref<1x16x1024xf32, #tpu.memory_space<vmem>> -> memref<16x1024xf32, #tpu.memory_space<vmem>>
      tpu.enqueue_dma source(%dma_start3A_216 : memref<16x1024xf32, #tpu.memory_space<vmem>>) target(%dma_start3A_212 : memref<16x1024xf32, #tpu.memory_space<hbm>>) target_semaphore(%dma_start3A_210 : memref<!tpu.dma_semaphore, #tpu.memory_space<semaphore_mem>>)
      %mul3A_217 = arith.constant 16 : i32
      %mul3A_218 = arith.muli %add3A_183, %mul3A_217 : i32
      %get3A_219 = arith.index_cast %mul3A_218 : i32 to index
      %get3A_220 = tpu.vector_load %arg8[%get3A_219] {strides = array<i32>} : memref<1600xi32, #tpu.memory_space<vmem>>, vector<16xi32>,
      %mul3A_221 = arith.constant 16 : i32
      %mul3A_222 = arith.muli %add3A_183, %mul3A_221 : i32
      %get3A_223 = arith.index_cast %mul3A_222 : i32 to index
      %get3A_224 = tpu.vector_load %arg9[%get3A_223] {strides = array<i32>} : memref<1600xi32, #tpu.memory_space<vmem>>, vector<16xi32>,
      %iota3A_225 = tpu.iota {dimensions = array<i32: 0>} : vector<16xi32>
      %gather3A_226 = tpu.vector_load_idx %arg10[%get3A_220] : memref<1024xf32, #tpu.memory_space<vmem>>[vector<16xi32>], vector<16xf32>,
      %gather3A_227 = arith.constant 1 : i32
      %gather3A_228 = arith.constant 0 : i32
      %gather3A_229 = arith.constant 0 : i32
      %gather3A_230 = tpu.memref_slice %arg11[%gather3A_227, %gather3A_228, %gather3A_229] : memref<4x16x1024xf32, #tpu.memory_space<vmem>> -> memref<1x16x1024xf32, #tpu.memory_space<vmem>>
      %gather3A_231 = tpu.memref_squeeze %gather3A_230 : memref<1x16x1024xf32, #tpu.memory_space<vmem>> -> memref<16x1024xf32, #tpu.memory_space<vmem>>
      %gather3A_232 = tpu.vector_load_idx %gather3A_231[%iota3A_225, %get3A_224] : memref<16x1024xf32, #tpu.memory_space<vmem>>[vector<16xi32>, vector<16xi32>], vector<16xf32>,
      %get3A_233 = arith.constant 0 : index
      %get3A_234 = tpu.vector_load %arg12[%get3A_233] {strides = array<i32>} : memref<16xf32, #tpu.memory_space<vmem>>, vector<16xf32>,
      %sub3A_235 = arith.subf %gather3A_226, %gather3A_232 : vector<16xf32>
      %add3A_236 = arith.addf %get3A_234, %sub3A_235 : vector<16xf32>
      %swap3A_237 = arith.constant 0 : index
      %swap3A_238 = tpu.vector_load %arg12[%swap3A_237] {strides = array<i32>} : memref<16xf32, #tpu.memory_space<vmem>>, vector<16xf32>,
      tpu.vector_store %arg12[%swap3A_237], %add3A_236 {strides = array<i32>} : memref<16xf32, #tpu.memory_space<vmem>>, vector<16xf32>,
      %add3A_239 = arith.constant 4 : i32
      %add3A_240 = arith.addi %add3A_183, %add3A_239 : i32
      %sub3A_241 = arith.constant 1 : i32
      %sub3A_242 = arith.subi %add3A_240, %sub3A_241 : i32
      %lt3A_243 = arith.constant 100 : i32
      %lt3A_244 = arith.cmpi slt, %sub3A_242, %lt3A_243 : i32
      %convert_element_type3A_245 = arith.extui %lt3A_244 : i1 to i32
      %cond3A_246 = arith.constant 0 : i32
      %cond3A_247 = arith.cmpi ne, %convert_element_type3A_245, %cond3A_246 : i32
      scf.if %cond3A_247 {
        %ge3A = arith.constant 1 : i32
        %ge3A_380 = arith.cmpi sge, %add3A_183, %ge3A : i32
        %convert_element_type3A_381 = arith.extui %ge3A_380 : i1 to i32
        %cond3A_382 = arith.constant 0 : i32
        %cond3A_383 = arith.cmpi ne, %convert_element_type3A_381, %cond3A_382 : i32
        scf.if %cond3A_383 {
          %sub3A_402 = arith.constant 1 : i32
          %sub3A_403 = arith.subi %add3A_183, %sub3A_402 : i32
          %mul3A_404 = arith.constant 16 : i32
          %mul3A_405 = arith.muli %sub3A_403, %mul3A_404 : i32
          %add3A_406 = arith.addi %mul3A_2, %mul3A_405 : i32
          %dma_wait3A_407 = arith.constant 0 : i32
          %dma_wait3A_408 = arith.constant 0 : i32
          %dma_wait3A_409 = arith.constant 0 : i32
          %dma_wait3A_410 = arith.constant 0 : i32
          %dma_wait3A_411 = tpu.memref_slice %arg11[%dma_wait3A_407, %dma_wait3A_409, %dma_wait3A_410] : memref<4x16x1024xf32, #tpu.memory_space<vmem>> -> memref<1x16x1024xf32, #tpu.memory_space<vmem>>
          %dma_wait3A_412 = tpu.memref_squeeze %dma_wait3A_411 : memref<1x16x1024xf32, #tpu.memory_space<vmem>> -> memref<16x1024xf32, #tpu.memory_space<vmem>>
          %dma_wait3A_413 = arith.constant 0 : i32
          %dma_wait3A_414 = tpu.memref_slice %arg6[%add3A_406, %dma_wait3A_413] : memref<51200x1024xf32, #tpu.memory_space<hbm>> -> memref<16x1024xf32, #tpu.memory_space<hbm>>
          %dma_wait3A_415 = tpu.memref_slice %arg14[%dma_wait3A_408] : memref<4x!tpu.dma_semaphore, #tpu.memory_space<semaphore_mem>> -> memref<1x!tpu.dma_semaphore, #tpu.memory_space<semaphore_mem>>
          %dma_wait3A_416 = tpu.memref_squeeze %dma_wait3A_415 : memref<1x!tpu.dma_semaphore, #tpu.memory_space<semaphore_mem>> -> memref<!tpu.dma_semaphore, #tpu.memory_space<semaphore_mem>>
          %dma_wait3A_417 = arith.constant 0 : i32
          %dma_wait3A_418 = tpu.memref_slice %arg6[%add3A_406, %dma_wait3A_417] : memref<51200x1024xf32, #tpu.memory_space<hbm>> -> memref<16x1024xf32, #tpu.memory_space<hbm>>
          %dma_wait3A_419 = arith.constant 0 : i32
          %dma_wait3A_420 = arith.constant 0 : i32
          %dma_wait3A_421 = tpu.memref_slice %arg11[%dma_wait3A_407, %dma_wait3A_419, %dma_wait3A_420] : memref<4x16x1024xf32, #tpu.memory_space<vmem>> -> memref<1x16x1024xf32, #tpu.memory_space<vmem>>
          %dma_wait3A_422 = tpu.memref_squeeze %dma_wait3A_421 : memref<1x16x1024xf32, #tpu.memory_space<vmem>> -> memref<16x1024xf32, #tpu.memory_space<vmem>>
          tpu.wait_dma2 semaphore(%dma_wait3A_416 : memref<!tpu.dma_semaphore, #tpu.memory_space<semaphore_mem>>) src(%dma_wait3A_422 : memref<16x1024xf32, #tpu.memory_space<vmem>>) dst(%dma_wait3A_418 : memref<16x1024xf32, #tpu.memory_space<hbm>>)
        } else {
        }
        %add3A_384 = arith.constant 4 : i32
        %add3A_385 = arith.addi %add3A_183, %add3A_384 : i32
        %sub3A_386 = arith.constant 1 : i32
        %sub3A_387 = arith.subi %add3A_385, %sub3A_386 : i32
        %mul3A_388 = arith.constant 16 : i32
        %mul3A_389 = arith.muli %sub3A_387, %mul3A_388 : i32
        %dma_start3A_390 = arith.constant 0 : i32
        %dma_start3A_391 = arith.constant 0 : i32
        %dma_start3A_392 = arith.constant 0 : i32
        %dma_start3A_393 = arith.constant 0 : i32
        %dma_start3A_394 = tpu.memref_slice %arg11[%dma_start3A_390, %dma_start3A_392, %dma_start3A_393] : memref<4x16x1024xf32, #tpu.memory_space<vmem>> -> memref<1x16x1024xf32, #tpu.memory_space<vmem>>
        %dma_start3A_395 = tpu.memref_squeeze %dma_start3A_394 : memref<1x16x1024xf32, #tpu.memory_space<vmem>> -> memref<16x1024xf32, #tpu.memory_space<vmem>>
        %dma_start3A_396 = tpu.memref_slice %arg8[%mul3A_389] : memref<1600xi32, #tpu.memory_space<vmem>> -> memref<16xi32, #tpu.memory_space<vmem>>
        %dma_start3A_397 = arith.constant 0 : i32
        %dma_start3A_398 = arith.constant 0 : i32
        %dma_start3A_399 = tpu.memref_slice %arg4[%dma_start3A_397, %dma_start3A_398] : memref<1024x1024xf32, #tpu.memory_space<hbm>> -> memref<1024x1024xf32, #tpu.memory_space<hbm>>
        %dma_start3A_400 = tpu.memref_slice %arg13[%dma_start3A_391] : memref<4x!tpu.dma_semaphore, #tpu.memory_space<semaphore_mem>> -> memref<1x!tpu.dma_semaphore, #tpu.memory_space<semaphore_mem>>
        %dma_start3A_401 = tpu.memref_squeeze %dma_start3A_400 : memref<1x!tpu.dma_semaphore, #tpu.memory_space<semaphore_mem>> -> memref<!tpu.dma_semaphore, #tpu.memory_space<semaphore_mem>>
        tpu.enqueue_indirect_dma source(%dma_start3A_399 : memref<1024x1024xf32, #tpu.memory_space<hbm>>) target(%dma_start3A_395 : memref<16x1024xf32, #tpu.memory_space<vmem>>) offsets(%dma_start3A_396 : memref<16xi32, #tpu.memory_space<vmem>>) semaphore(%dma_start3A_401 : memref<!tpu.dma_semaphore, #tpu.memory_space<semaphore_mem>>)
      } else {
      }
      %add3A_248 = arith.constant 2 : i32
      %add3A_249 = arith.addi %add3A_122, %add3A_248 : i32
      %mul3A_250 = arith.constant 16 : i32
      %mul3A_251 = arith.muli %add3A_249, %mul3A_250 : i32
      %dma_wait3A_252 = arith.constant 2 : i32
      %dma_wait3A_253 = arith.constant 2 : i32
      %dma_wait3A_254 = arith.constant 0 : i32
      %dma_wait3A_255 = arith.constant 0 : i32
      %dma_wait3A_256 = tpu.memref_slice %arg11[%dma_wait3A_252, %dma_wait3A_254, %dma_wait3A_255] : memref<4x16x1024xf32, #tpu.memory_space<vmem>> -> memref<1x16x1024xf32, #tpu.memory_space<vmem>>
      %dma_wait3A_257 = tpu.memref_squeeze %dma_wait3A_256 : memref<1x16x1024xf32, #tpu.memory_space<vmem>> -> memref<16x1024xf32, #tpu.memory_space<vmem>>
      %dma_wait3A_258 = tpu.memref_slice %arg8[%mul3A_251] : memref<1600xi32, #tpu.memory_space<vmem>> -> memref<16xi32, #tpu.memory_space<vmem>>
      %dma_wait3A_259 = arith.constant 0 : i32
      %dma_wait3A_260 = arith.constant 0 : i32
      %dma_wait3A_261 = tpu.memref_slice %arg4[%dma_wait3A_259, %dma_wait3A_260] : memref<1024x1024xf32, #tpu.memory_space<hbm>> -> memref<1024x1024xf32, #tpu.memory_space<hbm>>
      %dma_wait3A_262 = tpu.memref_slice %arg13[%dma_wait3A_253] : memref<4x!tpu.dma_semaphore, #tpu.memory_space<semaphore_mem>> -> memref<1x!tpu.dma_semaphore, #tpu.memory_space<semaphore_mem>>
      %dma_wait3A_263 = tpu.memref_squeeze %dma_wait3A_262 : memref<1x!tpu.dma_semaphore, #tpu.memory_space<semaphore_mem>> -> memref<!tpu.dma_semaphore, #tpu.memory_space<semaphore_mem>>
      tpu.wait_indirect_dma semaphore(%dma_wait3A_263 : memref<!tpu.dma_semaphore, #tpu.memory_space<semaphore_mem>>) src(%dma_wait3A_261 : memref<1024x1024xf32, #tpu.memory_space<hbm>>) dst(%dma_wait3A_257 : memref<16x1024xf32, #tpu.memory_space<vmem>>)
      %mul3A_264 = arith.constant 16 : i32
      %mul3A_265 = arith.muli %add3A_249, %mul3A_264 : i32
      %add3A_266 = arith.addi %mul3A_2, %mul3A_265 : i32
      %dma_start3A_267 = arith.constant 2 : i32
      %dma_start3A_268 = arith.constant 2 : i32
      %dma_start3A_269 = arith.constant 0 : i32
      %dma_start3A_270 = arith.constant 0 : i32
      %dma_start3A_271 = tpu.memref_slice %arg11[%dma_start3A_267, %dma_start3A_269, %dma_start3A_270] : memref<4x16x1024xf32, #tpu.memory_space<vmem>> -> memref<1x16x1024xf32, #tpu.memory_space<vmem>>
      %dma_start3A_272 = tpu.memref_squeeze %dma_start3A_271 : memref<1x16x1024xf32, #tpu.memory_space<vmem>> -> memref<16x1024xf32, #tpu.memory_space<vmem>>
      %dma_start3A_273 = arith.constant 0 : i32
      %dma_start3A_274 = tpu.memref_slice %arg6[%add3A_266, %dma_start3A_273] : memref<51200x1024xf32, #tpu.memory_space<hbm>> -> memref<16x1024xf32, #tpu.memory_space<hbm>>
      %dma_start3A_275 = tpu.memref_slice %arg14[%dma_start3A_268] : memref<4x!tpu.dma_semaphore, #tpu.memory_space<semaphore_mem>> -> memref<1x!tpu.dma_semaphore, #tpu.memory_space<semaphore_mem>>
      %dma_start3A_276 = tpu.memref_squeeze %dma_start3A_275 : memref<1x!tpu.dma_semaphore, #tpu.memory_space<semaphore_mem>> -> memref<!tpu.dma_semaphore, #tpu.memory_space<semaphore_mem>>
      %dma_start3A_277 = arith.constant 0 : i32
      %dma_start3A_278 = tpu.memref_slice %arg6[%add3A_266, %dma_start3A_277] : memref<51200x1024xf32, #tpu.memory_space<hbm>> -> memref<16x1024xf32, #tpu.memory_space<hbm>>
      %dma_start3A_279 = arith.constant 0 : i32
      %dma_start3A_280 = arith.constant 0 : i32
      %dma_start3A_281 = tpu.memref_slice %arg11[%dma_start3A_267, %dma_start3A_279, %dma_start3A_280] : memref<4x16x1024xf32, #tpu.memory_space<vmem>> -> memref<1x16x1024xf32, #tpu.memory_space<vmem>>
      %dma_start3A_282 = tpu.memref_squeeze %dma_start3A_281 : memref<1x16x1024xf32, #tpu.memory_space<vmem>> -> memref<16x1024xf32, #tpu.memory_space<vmem>>
      tpu.enqueue_dma source(%dma_start3A_282 : memref<16x1024xf32, #tpu.memory_space<vmem>>) target(%dma_start3A_278 : memref<16x1024xf32, #tpu.memory_space<hbm>>) target_semaphore(%dma_start3A_276 : memref<!tpu.dma_semaphore, #tpu.memory_space<semaphore_mem>>)
      %mul3A_283 = arith.constant 16 : i32
      %mul3A_284 = arith.muli %add3A_249, %mul3A_283 : i32
      %get3A_285 = arith.index_cast %mul3A_284 : i32 to index
      %get3A_286 = tpu.vector_load %arg8[%get3A_285] {strides = array<i32>} : memref<1600xi32, #tpu.memory_space<vmem>>, vector<16xi32>,
      %mul3A_287 = arith.constant 16 : i32
      %mul3A_288 = arith.muli %add3A_249, %mul3A_287 : i32
      %get3A_289 = arith.index_cast %mul3A_288 : i32 to index
      %get3A_290 = tpu.vector_load %arg9[%get3A_289] {strides = array<i32>} : memref<1600xi32, #tpu.memory_space<vmem>>, vector<16xi32>,
      %iota3A_291 = tpu.iota {dimensions = array<i32: 0>} : vector<16xi32>
      %gather3A_292 = tpu.vector_load_idx %arg10[%get3A_286] : memref<1024xf32, #tpu.memory_space<vmem>>[vector<16xi32>], vector<16xf32>,
      %gather3A_293 = arith.constant 2 : i32
      %gather3A_294 = arith.constant 0 : i32
      %gather3A_295 = arith.constant 0 : i32
      %gather3A_296 = tpu.memref_slice %arg11[%gather3A_293, %gather3A_294, %gather3A_295] : memref<4x16x1024xf32, #tpu.memory_space<vmem>> -> memref<1x16x1024xf32, #tpu.memory_space<vmem>>
      %gather3A_297 = tpu.memref_squeeze %gather3A_296 : memref<1x16x1024xf32, #tpu.memory_space<vmem>> -> memref<16x1024xf32, #tpu.memory_space<vmem>>
      %gather3A_298 = tpu.vector_load_idx %gather3A_297[%iota3A_291, %get3A_290] : memref<16x1024xf32, #tpu.memory_space<vmem>>[vector<16xi32>, vector<16xi32>], vector<16xf32>,
      %get3A_299 = arith.constant 0 : index
      %get3A_300 = tpu.vector_load %arg12[%get3A_299] {strides = array<i32>} : memref<16xf32, #tpu.memory_space<vmem>>, vector<16xf32>,
      %sub3A_301 = arith.subf %gather3A_292, %gather3A_298 : vector<16xf32>
      %add3A_302 = arith.addf %get3A_300, %sub3A_301 : vector<16xf32>
      %swap3A_303 = arith.constant 0 : index
      %swap3A_304 = tpu.vector_load %arg12[%swap3A_303] {strides = array<i32>} : memref<16xf32, #tpu.memory_space<vmem>>, vector<16xf32>,
      tpu.vector_store %arg12[%swap3A_303], %add3A_302 {strides = array<i32>} : memref<16xf32, #tpu.memory_space<vmem>>, vector<16xf32>,
      %add3A_305 = arith.constant 4 : i32
      %add3A_306 = arith.addi %add3A_249, %add3A_305 : i32
      %sub3A_307 = arith.constant 1 : i32
      %sub3A_308 = arith.subi %add3A_306, %sub3A_307 : i32
      %lt3A_309 = arith.constant 100 : i32
      %lt3A_310 = arith.cmpi slt, %sub3A_308, %lt3A_309 : i32
      %convert_element_type3A_311 = arith.extui %lt3A_310 : i1 to i32
      %cond3A_312 = arith.constant 0 : i32
      %cond3A_313 = arith.cmpi ne, %convert_element_type3A_311, %cond3A_312 : i32
      scf.if %cond3A_313 {
        %ge3A = arith.constant 1 : i32
        %ge3A_380 = arith.cmpi sge, %add3A_249, %ge3A : i32
        %convert_element_type3A_381 = arith.extui %ge3A_380 : i1 to i32
        %cond3A_382 = arith.constant 0 : i32
        %cond3A_383 = arith.cmpi ne, %convert_element_type3A_381, %cond3A_382 : i32
        scf.if %cond3A_383 {
          %sub3A_402 = arith.constant 1 : i32
          %sub3A_403 = arith.subi %add3A_249, %sub3A_402 : i32
          %mul3A_404 = arith.constant 16 : i32
          %mul3A_405 = arith.muli %sub3A_403, %mul3A_404 : i32
          %add3A_406 = arith.addi %mul3A_2, %mul3A_405 : i32
          %dma_wait3A_407 = arith.constant 1 : i32
          %dma_wait3A_408 = arith.constant 1 : i32
          %dma_wait3A_409 = arith.constant 0 : i32
          %dma_wait3A_410 = arith.constant 0 : i32
          %dma_wait3A_411 = tpu.memref_slice %arg11[%dma_wait3A_407, %dma_wait3A_409, %dma_wait3A_410] : memref<4x16x1024xf32, #tpu.memory_space<vmem>> -> memref<1x16x1024xf32, #tpu.memory_space<vmem>>
          %dma_wait3A_412 = tpu.memref_squeeze %dma_wait3A_411 : memref<1x16x1024xf32, #tpu.memory_space<vmem>> -> memref<16x1024xf32, #tpu.memory_space<vmem>>
          %dma_wait3A_413 = arith.constant 0 : i32
          %dma_wait3A_414 = tpu.memref_slice %arg6[%add3A_406, %dma_wait3A_413] : memref<51200x1024xf32, #tpu.memory_space<hbm>> -> memref<16x1024xf32, #tpu.memory_space<hbm>>
          %dma_wait3A_415 = tpu.memref_slice %arg14[%dma_wait3A_408] : memref<4x!tpu.dma_semaphore, #tpu.memory_space<semaphore_mem>> -> memref<1x!tpu.dma_semaphore, #tpu.memory_space<semaphore_mem>>
          %dma_wait3A_416 = tpu.memref_squeeze %dma_wait3A_415 : memref<1x!tpu.dma_semaphore, #tpu.memory_space<semaphore_mem>> -> memref<!tpu.dma_semaphore, #tpu.memory_space<semaphore_mem>>
          %dma_wait3A_417 = arith.constant 0 : i32
          %dma_wait3A_418 = tpu.memref_slice %arg6[%add3A_406, %dma_wait3A_417] : memref<51200x1024xf32, #tpu.memory_space<hbm>> -> memref<16x1024xf32, #tpu.memory_space<hbm>>
          %dma_wait3A_419 = arith.constant 0 : i32
          %dma_wait3A_420 = arith.constant 0 : i32
          %dma_wait3A_421 = tpu.memref_slice %arg11[%dma_wait3A_407, %dma_wait3A_419, %dma_wait3A_420] : memref<4x16x1024xf32, #tpu.memory_space<vmem>> -> memref<1x16x1024xf32, #tpu.memory_space<vmem>>
          %dma_wait3A_422 = tpu.memref_squeeze %dma_wait3A_421 : memref<1x16x1024xf32, #tpu.memory_space<vmem>> -> memref<16x1024xf32, #tpu.memory_space<vmem>>
          tpu.wait_dma2 semaphore(%dma_wait3A_416 : memref<!tpu.dma_semaphore, #tpu.memory_space<semaphore_mem>>) src(%dma_wait3A_422 : memref<16x1024xf32, #tpu.memory_space<vmem>>) dst(%dma_wait3A_418 : memref<16x1024xf32, #tpu.memory_space<hbm>>)
        } else {
        }
        %add3A_384 = arith.constant 4 : i32
        %add3A_385 = arith.addi %add3A_249, %add3A_384 : i32
        %sub3A_386 = arith.constant 1 : i32
        %sub3A_387 = arith.subi %add3A_385, %sub3A_386 : i32
        %mul3A_388 = arith.constant 16 : i32
        %mul3A_389 = arith.muli %sub3A_387, %mul3A_388 : i32
        %dma_start3A_390 = arith.constant 1 : i32
        %dma_start3A_391 = arith.constant 1 : i32
        %dma_start3A_392 = arith.constant 0 : i32
        %dma_start3A_393 = arith.constant 0 : i32
        %dma_start3A_394 = tpu.memref_slice %arg11[%dma_start3A_390, %dma_start3A_392, %dma_start3A_393] : memref<4x16x1024xf32, #tpu.memory_space<vmem>> -> memref<1x16x1024xf32, #tpu.memory_space<vmem>>
        %dma_start3A_395 = tpu.memref_squeeze %dma_start3A_394 : memref<1x16x1024xf32, #tpu.memory_space<vmem>> -> memref<16x1024xf32, #tpu.memory_space<vmem>>
        %dma_start3A_396 = tpu.memref_slice %arg8[%mul3A_389] : memref<1600xi32, #tpu.memory_space<vmem>> -> memref<16xi32, #tpu.memory_space<vmem>>
        %dma_start3A_397 = arith.constant 0 : i32
        %dma_start3A_398 = arith.constant 0 : i32
        %dma_start3A_399 = tpu.memref_slice %arg4[%dma_start3A_397, %dma_start3A_398] : memref<1024x1024xf32, #tpu.memory_space<hbm>> -> memref<1024x1024xf32, #tpu.memory_space<hbm>>
        %dma_start3A_400 = tpu.memref_slice %arg13[%dma_start3A_391] : memref<4x!tpu.dma_semaphore, #tpu.memory_space<semaphore_mem>> -> memref<1x!tpu.dma_semaphore, #tpu.memory_space<semaphore_mem>>
        %dma_start3A_401 = tpu.memref_squeeze %dma_start3A_400 : memref<1x!tpu.dma_semaphore, #tpu.memory_space<semaphore_mem>> -> memref<!tpu.dma_semaphore, #tpu.memory_space<semaphore_mem>>
        tpu.enqueue_indirect_dma source(%dma_start3A_399 : memref<1024x1024xf32, #tpu.memory_space<hbm>>) target(%dma_start3A_395 : memref<16x1024xf32, #tpu.memory_space<vmem>>) offsets(%dma_start3A_396 : memref<16xi32, #tpu.memory_space<vmem>>) semaphore(%dma_start3A_401 : memref<!tpu.dma_semaphore, #tpu.memory_space<semaphore_mem>>)
      } else {
      }
      %add3A_314 = arith.constant 3 : i32
      %add3A_315 = arith.addi %add3A_122, %add3A_314 : i32
      %mul3A_316 = arith.constant 16 : i32
      %mul3A_317 = arith.muli %add3A_315, %mul3A_316 : i32
      %dma_wait3A_318 = arith.constant 3 : i32
      %dma_wait3A_319 = arith.constant 3 : i32
      %dma_wait3A_320 = arith.constant 0 : i32
      %dma_wait3A_321 = arith.constant 0 : i32
      %dma_wait3A_322 = tpu.memref_slice %arg11[%dma_wait3A_318, %dma_wait3A_320, %dma_wait3A_321] : memref<4x16x1024xf32, #tpu.memory_space<vmem>> -> memref<1x16x1024xf32, #tpu.memory_space<vmem>>
      %dma_wait3A_323 = tpu.memref_squeeze %dma_wait3A_322 : memref<1x16x1024xf32, #tpu.memory_space<vmem>> -> memref<16x1024xf32, #tpu.memory_space<vmem>>
      %dma_wait3A_324 = tpu.memref_slice %arg8[%mul3A_317] : memref<1600xi32, #tpu.memory_space<vmem>> -> memref<16xi32, #tpu.memory_space<vmem>>
      %dma_wait3A_325 = arith.constant 0 : i32
      %dma_wait3A_326 = arith.constant 0 : i32
      %dma_wait3A_327 = tpu.memref_slice %arg4[%dma_wait3A_325, %dma_wait3A_326] : memref<1024x1024xf32, #tpu.memory_space<hbm>> -> memref<1024x1024xf32, #tpu.memory_space<hbm>>
      %dma_wait3A_328 = tpu.memref_slice %arg13[%dma_wait3A_319] : memref<4x!tpu.dma_semaphore, #tpu.memory_space<semaphore_mem>> -> memref<1x!tpu.dma_semaphore, #tpu.memory_space<semaphore_mem>>
      %dma_wait3A_329 = tpu.memref_squeeze %dma_wait3A_328 : memref<1x!tpu.dma_semaphore, #tpu.memory_space<semaphore_mem>> -> memref<!tpu.dma_semaphore, #tpu.memory_space<semaphore_mem>>
      tpu.wait_indirect_dma semaphore(%dma_wait3A_329 : memref<!tpu.dma_semaphore, #tpu.memory_space<semaphore_mem>>) src(%dma_wait3A_327 : memref<1024x1024xf32, #tpu.memory_space<hbm>>) dst(%dma_wait3A_323 : memref<16x1024xf32, #tpu.memory_space<vmem>>)
      %mul3A_330 = arith.constant 16 : i32
      %mul3A_331 = arith.muli %add3A_315, %mul3A_330 : i32
      %add3A_332 = arith.addi %mul3A_2, %mul3A_331 : i32
      %dma_start3A_333 = arith.constant 3 : i32
      %dma_start3A_334 = arith.constant 3 : i32
      %dma_start3A_335 = arith.constant 0 : i32
      %dma_start3A_336 = arith.constant 0 : i32
      %dma_start3A_337 = tpu.memref_slice %arg11[%dma_start3A_333, %dma_start3A_335, %dma_start3A_336] : memref<4x16x1024xf32, #tpu.memory_space<vmem>> -> memref<1x16x1024xf32, #tpu.memory_space<vmem>>
      %dma_start3A_338 = tpu.memref_squeeze %dma_start3A_337 : memref<1x16x1024xf32, #tpu.memory_space<vmem>> -> memref<16x1024xf32, #tpu.memory_space<vmem>>
      %dma_start3A_339 = arith.constant 0 : i32
      %dma_start3A_340 = tpu.memref_slice %arg6[%add3A_332, %dma_start3A_339] : memref<51200x1024xf32, #tpu.memory_space<hbm>> -> memref<16x1024xf32, #tpu.memory_space<hbm>>
      %dma_start3A_341 = tpu.memref_slice %arg14[%dma_start3A_334] : memref<4x!tpu.dma_semaphore, #tpu.memory_space<semaphore_mem>> -> memref<1x!tpu.dma_semaphore, #tpu.memory_space<semaphore_mem>>
      %dma_start3A_342 = tpu.memref_squeeze %dma_start3A_341 : memref<1x!tpu.dma_semaphore, #tpu.memory_space<semaphore_mem>> -> memref<!tpu.dma_semaphore, #tpu.memory_space<semaphore_mem>>
      %dma_start3A_343 = arith.constant 0 : i32
      %dma_start3A_344 = tpu.memref_slice %arg6[%add3A_332, %dma_start3A_343] : memref<51200x1024xf32, #tpu.memory_space<hbm>> -> memref<16x1024xf32, #tpu.memory_space<hbm>>
      %dma_start3A_345 = arith.constant 0 : i32
      %dma_start3A_346 = arith.constant 0 : i32
      %dma_start3A_347 = tpu.memref_slice %arg11[%dma_start3A_333, %dma_start3A_345, %dma_start3A_346] : memref<4x16x1024xf32, #tpu.memory_space<vmem>> -> memref<1x16x1024xf32, #tpu.memory_space<vmem>>
      %dma_start3A_348 = tpu.memref_squeeze %dma_start3A_347 : memref<1x16x1024xf32, #tpu.memory_space<vmem>> -> memref<16x1024xf32, #tpu.memory_space<vmem>>
      tpu.enqueue_dma source(%dma_start3A_348 : memref<16x1024xf32, #tpu.memory_space<vmem>>) target(%dma_start3A_344 : memref<16x1024xf32, #tpu.memory_space<hbm>>) target_semaphore(%dma_start3A_342 : memref<!tpu.dma_semaphore, #tpu.memory_space<semaphore_mem>>)
      %mul3A_349 = arith.constant 16 : i32
      %mul3A_350 = arith.muli %add3A_315, %mul3A_349 : i32
      %get3A_351 = arith.index_cast %mul3A_350 : i32 to index
      %get3A_352 = tpu.vector_load %arg8[%get3A_351] {strides = array<i32>} : memref<1600xi32, #tpu.memory_space<vmem>>, vector<16xi32>,
      %mul3A_353 = arith.constant 16 : i32
      %mul3A_354 = arith.muli %add3A_315, %mul3A_353 : i32
      %get3A_355 = arith.index_cast %mul3A_354 : i32 to index
      %get3A_356 = tpu.vector_load %arg9[%get3A_355] {strides = array<i32>} : memref<1600xi32, #tpu.memory_space<vmem>>, vector<16xi32>,
      %iota3A_357 = tpu.iota {dimensions = array<i32: 0>} : vector<16xi32>
      %gather3A_358 = tpu.vector_load_idx %arg10[%get3A_352] : memref<1024xf32, #tpu.memory_space<vmem>>[vector<16xi32>], vector<16xf32>,
      %gather3A_359 = arith.constant 3 : i32
      %gather3A_360 = arith.constant 0 : i32
      %gather3A_361 = arith.constant 0 : i32
      %gather3A_362 = tpu.memref_slice %arg11[%gather3A_359, %gather3A_360, %gather3A_361] : memref<4x16x1024xf32, #tpu.memory_space<vmem>> -> memref<1x16x1024xf32, #tpu.memory_space<vmem>>
      %gather3A_363 = tpu.memref_squeeze %gather3A_362 : memref<1x16x1024xf32, #tpu.memory_space<vmem>> -> memref<16x1024xf32, #tpu.memory_space<vmem>>
      %gather3A_364 = tpu.vector_load_idx %gather3A_363[%iota3A_357, %get3A_356] : memref<16x1024xf32, #tpu.memory_space<vmem>>[vector<16xi32>, vector<16xi32>], vector<16xf32>,
      %get3A_365 = arith.constant 0 : index
      %get3A_366 = tpu.vector_load %arg12[%get3A_365] {strides = array<i32>} : memref<16xf32, #tpu.memory_space<vmem>>, vector<16xf32>,
      %sub3A_367 = arith.subf %gather3A_358, %gather3A_364 : vector<16xf32>
      %add3A_368 = arith.addf %get3A_366, %sub3A_367 : vector<16xf32>
      %swap3A_369 = arith.constant 0 : index
      %swap3A_370 = tpu.vector_load %arg12[%swap3A_369] {strides = array<i32>} : memref<16xf32, #tpu.memory_space<vmem>>, vector<16xf32>,
      tpu.vector_store %arg12[%swap3A_369], %add3A_368 {strides = array<i32>} : memref<16xf32, #tpu.memory_space<vmem>>, vector<16xf32>,
      %add3A_371 = arith.constant 4 : i32
      %add3A_372 = arith.addi %add3A_315, %add3A_371 : i32
      %sub3A_373 = arith.constant 1 : i32
      %sub3A_374 = arith.subi %add3A_372, %sub3A_373 : i32
      %lt3A_375 = arith.constant 100 : i32
      %lt3A_376 = arith.cmpi slt, %sub3A_374, %lt3A_375 : i32
      %convert_element_type3A_377 = arith.extui %lt3A_376 : i1 to i32
      %cond3A_378 = arith.constant 0 : i32
      %cond3A_379 = arith.cmpi ne, %convert_element_type3A_377, %cond3A_378 : i32
      scf.if %cond3A_379 {
        %ge3A = arith.constant 1 : i32
        %ge3A_380 = arith.cmpi sge, %add3A_315, %ge3A : i32
        %convert_element_type3A_381 = arith.extui %ge3A_380 : i1 to i32
        %cond3A_382 = arith.constant 0 : i32
        %cond3A_383 = arith.cmpi ne, %convert_element_type3A_381, %cond3A_382 : i32
        scf.if %cond3A_383 {
          %sub3A_402 = arith.constant 1 : i32
          %sub3A_403 = arith.subi %add3A_315, %sub3A_402 : i32
          %mul3A_404 = arith.constant 16 : i32
          %mul3A_405 = arith.muli %sub3A_403, %mul3A_404 : i32
          %add3A_406 = arith.addi %mul3A_2, %mul3A_405 : i32
          %dma_wait3A_407 = arith.constant 2 : i32
          %dma_wait3A_408 = arith.constant 2 : i32
          %dma_wait3A_409 = arith.constant 0 : i32
          %dma_wait3A_410 = arith.constant 0 : i32
          %dma_wait3A_411 = tpu.memref_slice %arg11[%dma_wait3A_407, %dma_wait3A_409, %dma_wait3A_410] : memref<4x16x1024xf32, #tpu.memory_space<vmem>> -> memref<1x16x1024xf32, #tpu.memory_space<vmem>>
          %dma_wait3A_412 = tpu.memref_squeeze %dma_wait3A_411 : memref<1x16x1024xf32, #tpu.memory_space<vmem>> -> memref<16x1024xf32, #tpu.memory_space<vmem>>
          %dma_wait3A_413 = arith.constant 0 : i32
          %dma_wait3A_414 = tpu.memref_slice %arg6[%add3A_406, %dma_wait3A_413] : memref<51200x1024xf32, #tpu.memory_space<hbm>> -> memref<16x1024xf32, #tpu.memory_space<hbm>>
          %dma_wait3A_415 = tpu.memref_slice %arg14[%dma_wait3A_408] : memref<4x!tpu.dma_semaphore, #tpu.memory_space<semaphore_mem>> -> memref<1x!tpu.dma_semaphore, #tpu.memory_space<semaphore_mem>>
          %dma_wait3A_416 = tpu.memref_squeeze %dma_wait3A_415 : memref<1x!tpu.dma_semaphore, #tpu.memory_space<semaphore_mem>> -> memref<!tpu.dma_semaphore, #tpu.memory_space<semaphore_mem>>
          %dma_wait3A_417 = arith.constant 0 : i32
          %dma_wait3A_418 = tpu.memref_slice %arg6[%add3A_406, %dma_wait3A_417] : memref<51200x1024xf32, #tpu.memory_space<hbm>> -> memref<16x1024xf32, #tpu.memory_space<hbm>>
          %dma_wait3A_419 = arith.constant 0 : i32
          %dma_wait3A_420 = arith.constant 0 : i32
          %dma_wait3A_421 = tpu.memref_slice %arg11[%dma_wait3A_407, %dma_wait3A_419, %dma_wait3A_420] : memref<4x16x1024xf32, #tpu.memory_space<vmem>> -> memref<1x16x1024xf32, #tpu.memory_space<vmem>>
          %dma_wait3A_422 = tpu.memref_squeeze %dma_wait3A_421 : memref<1x16x1024xf32, #tpu.memory_space<vmem>> -> memref<16x1024xf32, #tpu.memory_space<vmem>>
          tpu.wait_dma2 semaphore(%dma_wait3A_416 : memref<!tpu.dma_semaphore, #tpu.memory_space<semaphore_mem>>) src(%dma_wait3A_422 : memref<16x1024xf32, #tpu.memory_space<vmem>>) dst(%dma_wait3A_418 : memref<16x1024xf32, #tpu.memory_space<hbm>>)
        } else {
        }
        %add3A_384 = arith.constant 4 : i32
        %add3A_385 = arith.addi %add3A_315, %add3A_384 : i32
        %sub3A_386 = arith.constant 1 : i32
        %sub3A_387 = arith.subi %add3A_385, %sub3A_386 : i32
        %mul3A_388 = arith.constant 16 : i32
        %mul3A_389 = arith.muli %sub3A_387, %mul3A_388 : i32
        %dma_start3A_390 = arith.constant 2 : i32
        %dma_start3A_391 = arith.constant 2 : i32
        %dma_start3A_392 = arith.constant 0 : i32
        %dma_start3A_393 = arith.constant 0 : i32
        %dma_start3A_394 = tpu.memref_slice %arg11[%dma_start3A_390, %dma_start3A_392, %dma_start3A_393] : memref<4x16x1024xf32, #tpu.memory_space<vmem>> -> memref<1x16x1024xf32, #tpu.memory_space<vmem>>
        %dma_start3A_395 = tpu.memref_squeeze %dma_start3A_394 : memref<1x16x1024xf32, #tpu.memory_space<vmem>> -> memref<16x1024xf32, #tpu.memory_space<vmem>>
        %dma_start3A_396 = tpu.memref_slice %arg8[%mul3A_389] : memref<1600xi32, #tpu.memory_space<vmem>> -> memref<16xi32, #tpu.memory_space<vmem>>
        %dma_start3A_397 = arith.constant 0 : i32
        %dma_start3A_398 = arith.constant 0 : i32
        %dma_start3A_399 = tpu.memref_slice %arg4[%dma_start3A_397, %dma_start3A_398] : memref<1024x1024xf32, #tpu.memory_space<hbm>> -> memref<1024x1024xf32, #tpu.memory_space<hbm>>
        %dma_start3A_400 = tpu.memref_slice %arg13[%dma_start3A_391] : memref<4x!tpu.dma_semaphore, #tpu.memory_space<semaphore_mem>> -> memref<1x!tpu.dma_semaphore, #tpu.memory_space<semaphore_mem>>
        %dma_start3A_401 = tpu.memref_squeeze %dma_start3A_400 : memref<1x!tpu.dma_semaphore, #tpu.memory_space<semaphore_mem>> -> memref<!tpu.dma_semaphore, #tpu.memory_space<semaphore_mem>>
        tpu.enqueue_indirect_dma source(%dma_start3A_399 : memref<1024x1024xf32, #tpu.memory_space<hbm>>) target(%dma_start3A_395 : memref<16x1024xf32, #tpu.memory_space<vmem>>) offsets(%dma_start3A_396 : memref<16xi32, #tpu.memory_space<vmem>>) semaphore(%dma_start3A_401 : memref<!tpu.dma_semaphore, #tpu.memory_space<semaphore_mem>>)
      } else {
      }
    }
    %scan3A_46 = arith.constant 25 : i32
    %add3A_47 = arith.constant 1536 : i32
    %add3A_48 = arith.addi %mul3A_2, %add3A_47 : i32
    %dma_wait3A = arith.constant 0 : i32
    %dma_wait3A_49 = arith.constant 0 : i32
    %dma_wait3A_50 = arith.constant 0 : i32
    %dma_wait3A_51 = arith.constant 0 : i32
    %dma_wait3A_52 = tpu.memref_slice %arg11[%dma_wait3A, %dma_wait3A_50, %dma_wait3A_51] : memref<4x16x1024xf32, #tpu.memory_space<vmem>> -> memref<1x16x1024xf32, #tpu.memory_space<vmem>>
    %dma_wait3A_53 = tpu.memref_squeeze %dma_wait3A_52 : memref<1x16x1024xf32, #tpu.memory_space<vmem>> -> memref<16x1024xf32, #tpu.memory_space<vmem>>
    %dma_wait3A_54 = arith.constant 0 : i32
    %dma_wait3A_55 = tpu.memref_slice %arg6[%add3A_48, %dma_wait3A_54] : memref<51200x1024xf32, #tpu.memory_space<hbm>> -> memref<16x1024xf32, #tpu.memory_space<hbm>>
    %dma_wait3A_56 = tpu.memref_slice %arg14[%dma_wait3A_49] : memref<4x!tpu.dma_semaphore, #tpu.memory_space<semaphore_mem>> -> memref<1x!tpu.dma_semaphore, #tpu.memory_space<semaphore_mem>>
    %dma_wait3A_57 = tpu.memref_squeeze %dma_wait3A_56 : memref<1x!tpu.dma_semaphore, #tpu.memory_space<semaphore_mem>> -> memref<!tpu.dma_semaphore, #tpu.memory_space<semaphore_mem>>
    %dma_wait3A_58 = arith.constant 0 : i32
    %dma_wait3A_59 = tpu.memref_slice %arg6[%add3A_48, %dma_wait3A_58] : memref<51200x1024xf32, #tpu.memory_space<hbm>> -> memref<16x1024xf32, #tpu.memory_space<hbm>>
    %dma_wait3A_60 = arith.constant 0 : i32
    %dma_wait3A_61 = arith.constant 0 : i32
    %dma_wait3A_62 = tpu.memref_slice %arg11[%dma_wait3A, %dma_wait3A_60, %dma_wait3A_61] : memref<4x16x1024xf32, #tpu.memory_space<vmem>> -> memref<1x16x1024xf32, #tpu.memory_space<vmem>>
    %dma_wait3A_63 = tpu.memref_squeeze %dma_wait3A_62 : memref<1x16x1024xf32, #tpu.memory_space<vmem>> -> memref<16x1024xf32, #tpu.memory_space<vmem>>
    tpu.wait_dma2 semaphore(%dma_wait3A_57 : memref<!tpu.dma_semaphore, #tpu.memory_space<semaphore_mem>>) src(%dma_wait3A_63 : memref<16x1024xf32, #tpu.memory_space<vmem>>) dst(%dma_wait3A_59 : memref<16x1024xf32, #tpu.memory_space<hbm>>)
    %add3A_64 = arith.constant 1552 : i32
    %add3A_65 = arith.addi %mul3A_2, %add3A_64 : i32
    %dma_wait3A_66 = arith.constant 1 : i32
    %dma_wait3A_67 = arith.constant 1 : i32
    %dma_wait3A_68 = arith.constant 0 : i32
    %dma_wait3A_69 = arith.constant 0 : i32
    %dma_wait3A_70 = tpu.memref_slice %arg11[%dma_wait3A_66, %dma_wait3A_68, %dma_wait3A_69] : memref<4x16x1024xf32, #tpu.memory_space<vmem>> -> memref<1x16x1024xf32, #tpu.memory_space<vmem>>
    %dma_wait3A_71 = tpu.memref_squeeze %dma_wait3A_70 : memref<1x16x1024xf32, #tpu.memory_space<vmem>> -> memref<16x1024xf32, #tpu.memory_space<vmem>>
    %dma_wait3A_72 = arith.constant 0 : i32
    %dma_wait3A_73 = tpu.memref_slice %arg6[%add3A_65, %dma_wait3A_72] : memref<51200x1024xf32, #tpu.memory_space<hbm>> -> memref<16x1024xf32, #tpu.memory_space<hbm>>
    %dma_wait3A_74 = tpu.memref_slice %arg14[%dma_wait3A_67] : memref<4x!tpu.dma_semaphore, #tpu.memory_space<semaphore_mem>> -> memref<1x!tpu.dma_semaphore, #tpu.memory_space<semaphore_mem>>
    %dma_wait3A_75 = tpu.memref_squeeze %dma_wait3A_74 : memref<1x!tpu.dma_semaphore, #tpu.memory_space<semaphore_mem>> -> memref<!tpu.dma_semaphore, #tpu.memory_space<semaphore_mem>>
    %dma_wait3A_76 = arith.constant 0 : i32
    %dma_wait3A_77 = tpu.memref_slice %arg6[%add3A_65, %dma_wait3A_76] : memref<51200x1024xf32, #tpu.memory_space<hbm>> -> memref<16x1024xf32, #tpu.memory_space<hbm>>
    %dma_wait3A_78 = arith.constant 0 : i32
    %dma_wait3A_79 = arith.constant 0 : i32
    %dma_wait3A_80 = tpu.memref_slice %arg11[%dma_wait3A_66, %dma_wait3A_78, %dma_wait3A_79] : memref<4x16x1024xf32, #tpu.memory_space<vmem>> -> memref<1x16x1024xf32, #tpu.memory_space<vmem>>
    %dma_wait3A_81 = tpu.memref_squeeze %dma_wait3A_80 : memref<1x16x1024xf32, #tpu.memory_space<vmem>> -> memref<16x1024xf32, #tpu.memory_space<vmem>>
    tpu.wait_dma2 semaphore(%dma_wait3A_75 : memref<!tpu.dma_semaphore, #tpu.memory_space<semaphore_mem>>) src(%dma_wait3A_81 : memref<16x1024xf32, #tpu.memory_space<vmem>>) dst(%dma_wait3A_77 : memref<16x1024xf32, #tpu.memory_space<hbm>>)
    %add3A_82 = arith.constant 1568 : i32
    %add3A_83 = arith.addi %mul3A_2, %add3A_82 : i32
    %dma_wait3A_84 = arith.constant 2 : i32
    %dma_wait3A_85 = arith.constant 2 : i32
    %dma_wait3A_86 = arith.constant 0 : i32
    %dma_wait3A_87 = arith.constant 0 : i32
    %dma_wait3A_88 = tpu.memref_slice %arg11[%dma_wait3A_84, %dma_wait3A_86, %dma_wait3A_87] : memref<4x16x1024xf32, #tpu.memory_space<vmem>> -> memref<1x16x1024xf32, #tpu.memory_space<vmem>>
    %dma_wait3A_89 = tpu.memref_squeeze %dma_wait3A_88 : memref<1x16x1024xf32, #tpu.memory_space<vmem>> -> memref<16x1024xf32, #tpu.memory_space<vmem>>
    %dma_wait3A_90 = arith.constant 0 : i32
    %dma_wait3A_91 = tpu.memref_slice %arg6[%add3A_83, %dma_wait3A_90] : memref<51200x1024xf32, #tpu.memory_space<hbm>> -> memref<16x1024xf32, #tpu.memory_space<hbm>>
    %dma_wait3A_92 = tpu.memref_slice %arg14[%dma_wait3A_85] : memref<4x!tpu.dma_semaphore, #tpu.memory_space<semaphore_mem>> -> memref<1x!tpu.dma_semaphore, #tpu.memory_space<semaphore_mem>>
    %dma_wait3A_93 = tpu.memref_squeeze %dma_wait3A_92 : memref<1x!tpu.dma_semaphore, #tpu.memory_space<semaphore_mem>> -> memref<!tpu.dma_semaphore, #tpu.memory_space<semaphore_mem>>
    %dma_wait3A_94 = arith.constant 0 : i32
    %dma_wait3A_95 = tpu.memref_slice %arg6[%add3A_83, %dma_wait3A_94] : memref<51200x1024xf32, #tpu.memory_space<hbm>> -> memref<16x1024xf32, #tpu.memory_space<hbm>>
    %dma_wait3A_96 = arith.constant 0 : i32
    %dma_wait3A_97 = arith.constant 0 : i32
    %dma_wait3A_98 = tpu.memref_slice %arg11[%dma_wait3A_84, %dma_wait3A_96, %dma_wait3A_97] : memref<4x16x1024xf32, #tpu.memory_space<vmem>> -> memref<1x16x1024xf32, #tpu.memory_space<vmem>>
    %dma_wait3A_99 = tpu.memref_squeeze %dma_wait3A_98 : memref<1x16x1024xf32, #tpu.memory_space<vmem>> -> memref<16x1024xf32, #tpu.memory_space<vmem>>
    tpu.wait_dma2 semaphore(%dma_wait3A_93 : memref<!tpu.dma_semaphore, #tpu.memory_space<semaphore_mem>>) src(%dma_wait3A_99 : memref<16x1024xf32, #tpu.memory_space<vmem>>) dst(%dma_wait3A_95 : memref<16x1024xf32, #tpu.memory_space<hbm>>)
    %add3A_100 = arith.constant 1584 : i32
    %add3A_101 = arith.addi %mul3A_2, %add3A_100 : i32
    %dma_wait3A_102 = arith.constant 3 : i32
    %dma_wait3A_103 = arith.constant 3 : i32
    %dma_wait3A_104 = arith.constant 0 : i32
    %dma_wait3A_105 = arith.constant 0 : i32
    %dma_wait3A_106 = tpu.memref_slice %arg11[%dma_wait3A_102, %dma_wait3A_104, %dma_wait3A_105] : memref<4x16x1024xf32, #tpu.memory_space<vmem>> -> memref<1x16x1024xf32, #tpu.memory_space<vmem>>
    %dma_wait3A_107 = tpu.memref_squeeze %dma_wait3A_106 : memref<1x16x1024xf32, #tpu.memory_space<vmem>> -> memref<16x1024xf32, #tpu.memory_space<vmem>>
    %dma_wait3A_108 = arith.constant 0 : i32
    %dma_wait3A_109 = tpu.memref_slice %arg6[%add3A_101, %dma_wait3A_108] : memref<51200x1024xf32, #tpu.memory_space<hbm>> -> memref<16x1024xf32, #tpu.memory_space<hbm>>
    %dma_wait3A_110 = tpu.memref_slice %arg14[%dma_wait3A_103] : memref<4x!tpu.dma_semaphore, #tpu.memory_space<semaphore_mem>> -> memref<1x!tpu.dma_semaphore, #tpu.memory_space<semaphore_mem>>
    %dma_wait3A_111 = tpu.memref_squeeze %dma_wait3A_110 : memref<1x!tpu.dma_semaphore, #tpu.memory_space<semaphore_mem>> -> memref<!tpu.dma_semaphore, #tpu.memory_space<semaphore_mem>>
    %dma_wait3A_112 = arith.constant 0 : i32
    %dma_wait3A_113 = tpu.memref_slice %arg6[%add3A_101, %dma_wait3A_112] : memref<51200x1024xf32, #tpu.memory_space<hbm>> -> memref<16x1024xf32, #tpu.memory_space<hbm>>
    %dma_wait3A_114 = arith.constant 0 : i32
    %dma_wait3A_115 = arith.constant 0 : i32
    %dma_wait3A_116 = tpu.memref_slice %arg11[%dma_wait3A_102, %dma_wait3A_114, %dma_wait3A_115] : memref<4x16x1024xf32, #tpu.memory_space<vmem>> -> memref<1x16x1024xf32, #tpu.memory_space<vmem>>
    %dma_wait3A_117 = tpu.memref_squeeze %dma_wait3A_116 : memref<1x16x1024xf32, #tpu.memory_space<vmem>> -> memref<16x1024xf32, #tpu.memory_space<vmem>>
    tpu.wait_dma2 semaphore(%dma_wait3A_111 : memref<!tpu.dma_semaphore, #tpu.memory_space<semaphore_mem>>) src(%dma_wait3A_117 : memref<16x1024xf32, #tpu.memory_space<vmem>>) dst(%dma_wait3A_113 : memref<16x1024xf32, #tpu.memory_space<hbm>>)
    "tpu.region"() ({
      %run_scoped3A = tpu.sem_alloc : memref<!tpu.dma_semaphore, #tpu.memory_space<semaphore_mem>>
      %dma_start3A_118 = arith.constant 0 : i32
      %dma_start3A_119 = tpu.memref_slice %arg7[%add3A, %dma_start3A_118] : memref<32x16xf32, #tpu.memory_space<hbm>> -> memref<1x16xf32, #tpu.memory_space<hbm>>
      %dma_start3A_120 = tpu.memref_squeeze %dma_start3A_119 : memref<1x16xf32, #tpu.memory_space<hbm>> -> memref<16xf32, #tpu.memory_space<hbm>>
      %dma_start3A_121 = arith.constant 0 : i32
      %dma_start3A_122 = tpu.memref_slice %arg7[%add3A, %dma_start3A_121] : memref<32x16xf32, #tpu.memory_space<hbm>> -> memref<1x16xf32, #tpu.memory_space<hbm>>
      %dma_start3A_123 = tpu.memref_squeeze %dma_start3A_122 : memref<1x16xf32, #tpu.memory_space<hbm>> -> memref<16xf32, #tpu.memory_space<hbm>>
      tpu.enqueue_dma source(%arg12 : memref<16xf32, #tpu.memory_space<vmem>>) target(%dma_start3A_123 : memref<16xf32, #tpu.memory_space<hbm>>) target_semaphore(%run_scoped3A : memref<!tpu.dma_semaphore, #tpu.memory_space<semaphore_mem>>)
      %dma_wait3A_124 = arith.constant 0 : i32
      %dma_wait3A_125 = tpu.memref_slice %arg7[%add3A, %dma_wait3A_124] : memref<32x16xf32, #tpu.memory_space<hbm>> -> memref<1x16xf32, #tpu.memory_space<hbm>>
      %dma_wait3A_126 = tpu.memref_squeeze %dma_wait3A_125 : memref<1x16xf32, #tpu.memory_space<hbm>> -> memref<16xf32, #tpu.memory_space<hbm>>
      %dma_wait3A_127 = arith.constant 0 : i32
      %dma_wait3A_128 = tpu.memref_slice %arg7[%add3A, %dma_wait3A_127] : memref<32x16xf32, #tpu.memory_space<hbm>> -> memref<1x16xf32, #tpu.memory_space<hbm>>
      %dma_wait3A_129 = tpu.memref_squeeze %dma_wait3A_128 : memref<1x16xf32, #tpu.memory_space<hbm>> -> memref<16xf32, #tpu.memory_space<hbm>>
      tpu.wait_dma2 semaphore(%run_scoped3A : memref<!tpu.dma_semaphore, #tpu.memory_space<semaphore_mem>>) src(%arg12 : memref<16xf32, #tpu.memory_space<vmem>>) dst(%dma_wait3A_129 : memref<16xf32, #tpu.memory_space<hbm>>)
      tpu.yield
    }) : () -> ()
    return
  }
}

module attributes {stable_mosaic.version = 14 : i64} {
  func.func @_lse_body(%arg0: memref<1024x1024xf32, #tpu.memory_space<vmem>>, %arg1: memref<1024xf32, #tpu.memory_space<vmem>>) attributes {dimension_semantics = [], scalar_prefetch = 0 : i64, scratch_operands = 0 : i64, tpu.core_type = #tpu.core_type<tc>} {
    %get3A = arith.constant 0 : index
    %get3A_0 = arith.constant 0 : index
    %get3A_1 = vector.load %arg0[%get3A, %get3A_0] : memref<1024x1024xf32, #tpu.memory_space<vmem>>, vector<1024x1024xf32>
    %reduce_max3A = arith.constant dense<0xFF800000> : vector<1024xf32>
    %reduce_max3A_2 = vector.multi_reduction <maximumf>, %get3A_1, %reduce_max3A [1] : vector<1024x1024xf32> to vector<1024xf32>
    %broadcast_in_dim3A = vector.shape_cast %reduce_max3A_2 : vector<1024xf32> to vector<1024x1xf32>
    %sub3A = vector.broadcast %broadcast_in_dim3A : vector<1024x1xf32> to vector<1024x1024xf32>
    %sub3A_3 = arith.subf %get3A_1, %sub3A : vector<1024x1024xf32>
    %exp3A = math.exp %sub3A_3 : vector<1024x1024xf32>
    %reduce_sum3A = arith.constant dense<0.000000e+00> : vector<1024xf32>
    %reduce_sum3A_4 = vector.multi_reduction <add>, %exp3A, %reduce_sum3A [1] : vector<1024x1024xf32> to vector<1024xf32>
    %broadcast_in_dim3A_5 = vector.shape_cast %reduce_sum3A_4 : vector<1024xf32> to vector<1024x1xf32>
    %log3A = math.log %broadcast_in_dim3A_5 : vector<1024x1xf32>
    %add3A = arith.addf %log3A, %broadcast_in_dim3A : vector<1024x1xf32>
    %squeeze3A = vector.shape_cast %add3A : vector<1024x1xf32> to vector<1024xf32>
    %swap3A = arith.constant 0 : index
    %swap3A_6 = vector.load %arg1[%swap3A] : memref<1024xf32, #tpu.memory_space<vmem>>, vector<1024xf32>
    tpu.vector_store %arg1[%swap3A], %squeeze3A {strides = array<i32>} : memref<1024xf32, #tpu.memory_space<vmem>>, vector<1024xf32>,
    return
  }
}

</mosaic_0001>

<sc_bundles>
// kernel: kernel.4.cloned.1.call-start
scs
__scs_entry_jumppad:
0x0: {  	(pc) =	sbr.rel $0x88, $3  }
0x1: {  	(tag) =	ssettag $0x0;
	lr =	simm.s32 $0x1  }
0x2: {  	[smem:$0x3F9E] =	sst lr;
	_ =	strace $0xD0000000  }
0x3: {  	_ = 	snop  }
0x4: {  	_ = 	snop  }
0x5: {  	_ = 	snop  }
0x6: {  	_ = 	snop  }
0x7: {  	_ = 	snop  }
__scs_overlays_trampoline_lowered:
0x8: {  	[smem:$0x3FAD] =	sst s0  }
0x9: {  	[smem:$0x3FAE] =	sst s1  }
0xa: {  	[smem:$0x3FAF] =	sst s2  }
0xb: {  	[smem:$0x3FB0] =	sst s3  }
0xc: {  	[smem:$0x3FB1] =	sst s4  }
0xd: {  	[smem:$0x3FB2] =	sst s5  }
0xe: {  	[smem:$0x3FB3] =	sst s6  }
0xf: {  	[smem:$0x3FB4] =	sst s7  }
0x10: {  	[smem:$0x3FB5] =	sst s8  }
0x11: {  	[smem:$0x3FB6] =	sst s9;
	s0 =	simm.s32 @!p0 $0x0  }
0x12: {  	s1 =	sld [smem:$0x3F9C];
	s0 =	simm.s32 @p0 $0x1  }
0x13: {  	[smem:$0x3FB7] =	sst s0;
	s0 =	simm.s32 @!p1 $0x0  }
0x14: {  	s2 =	sld [smem:$0x3F9B];
	s0 =	simm.s32 @p1 $0x1  }
0x15: {  	[smem:$0x3FB8] =	sst s0;
	s0 =	simm.s32 @!p2 $0x0  }
0x16: {  	s3 =	sld [smem:$0x3FDB];
	s0 =	simm.s32 @p2 $0x1  }
0x17: {  	s4 =	simm.s32 $0x1BF5;
	[smem:$0x3FBA] =	sst s0  }
0x18: {  	s0 =	sld [smem:$0x3F9D];
	_ =	swait.ge [sflag:s4], $0x0  }
0x19: {  	s7 =	sld [smem:$0x3F9E]  }
0x1a: {  	s8 =	sadd.s32 $0xFFFFE003, lr  }
0x1b: {  	s9 =	sadd.s32 $0xFFFFFEF7, lr;
	s5 =	simm.s32 $0xFFFFFFFF;
	p2 =	slt.u32 s8, $0xFFFFF086  }
0x1c: {  	p1 =	slt.u32 s9, $0xF7A;
	s5 =	simm.s32 @!p2 $0x0  }
0x1d: {  	s5 =	simm.s32 @p1 $0x1;
	p0 =	seq.s32 s7, s2  }
0x1e: {  	s7 =	smul.u32 @!p0 $0xF7A, s2;
	p2 =	seq.s32 @!p0 s5, $0x0  }
0x1f: {  	s9 =	smul.u32 $0xF7A, s1;
	s8 =	simm.s32 @!p0 $0x1BF5;
	p2 =	por !p2, p0  }
0x20: {  	[sflag:s8] =	ssyncset.s32 @!p0 $0xFFFFF086;
	s6 =	sadd.s32 @!p0 s3, s7;
	s7 =	simm.s32 @!p0 $0x108  }
0x21: {  	s3 =	sadd.s32 s3, s9;
	s6 =	sadd.s32 @!p0 $0x88, s6;
	s7 =	simm.s32 @p2 $0x1082  }
0x22: {  	[simem:s7], [sflag:s8] =	dma.local @!p0 [hbm:s6], $0xF7A  }
0x23: {  	s9 =	sor.u32 $0xD0000000, s2;
	s6 =	simm.s32 $0x108;
	_ =	swait.ge @!p0 [sflag:s8], $0x0  }
0x24: {  	s3 =	sadd.s32 $0x88, s3;
	s6 =	simm.s32 @!p1 $0x1082;
	[sflag:s4] =	ssyncset.s32 $0xFFFFF086  }
0x25: {  	[simem:s6], [sflag:s4] =	dma.local [hbm:s3], $0xF7A  }
0x26: {  	[smem:$0x3F9E] =	sst s1;
	(tag) =	ssettag s2;
	_ =	strace s9  }
0x27: {  	s1 =	sld [smem:$0x3FAE]  }
0x28: {  	s2 =	sld [smem:$0x3FAF]  }
0x29: {  	s4 =	sld [smem:$0x3FB1]  }
0x2a: {  	p0 =	seq.s32 s5, $0x0;
	s5 =	sld [smem:$0x3FB2]  }
0x2b: {  	s6 =	sld [smem:$0x3FB3]  }
0x2c: {  	s7 =	sld [smem:$0x3FB4]  }
0x2d: {  	s3 =	simm.s32 $0x108;
	s8 =	sld [smem:$0x3FB5]  }
0x2e: {  	s3 =	simm.s32 @!p0 $0x1082;
	s9 =	sld [smem:$0x3FB6]  }
0x2f: {  	lr =	sadd.s32 s0, s3;
	s0 =	sld [smem:$0x3FAD]  }
0x30: {  	s3 =	sld [smem:$0x3FB0]  }
0x31: {  	[smem:$0x3FB9] =	sst s10  }
0x32: {  	s10 =	sld [smem:$0x3FB7];
	_ =	sdelay $0x3  }
0x33: {  	p0 =	seq.s32 s10, $0x1;
	s10 =	sld [smem:$0x3FB9];
	_ =	sdelay $0x3  }
0x34: {  	[smem:$0x3FB9] =	sst s10  }
0x35: {  	s10 =	sld [smem:$0x3FB8];
	_ =	sdelay $0x3  }
0x36: {  	p1 =	seq.s32 s10, $0x1;
	s10 =	sld [smem:$0x3FB9];
	_ =	sdelay $0x3  }
0x37: {  	[smem:$0x3FB9] =	sst s10  }
0x38: {  	s10 =	sld [smem:$0x3FBA]  }
0x39: {  	_ = 	snop;
	(pc) =	sbr.ind lr, $3  }
0x3a: {  	_ = 	snop  }
0x3b: {  	_ = 	snop  }
0x3c: {  	p2 =	seq.s32 s10, $0x1;
	s10 =	sld [smem:$0x3FB9]  }
0x3d: {  	_ =	shalt  }
0x3e: {  	_ =	shalt  }
0x3f: {  	_ =	shalt  }
0x40: {  	_ =	shalt  }
0x41: {  	_ =	shalt  }
0x42: {  	_ =	shalt  }
0x43: {  	_ =	shalt  }
0x44: {  	_ =	shalt  }
0x45: {  	_ =	shalt  }
0x46: {  	_ =	shalt  }
0x47: {  	_ =	shalt  }
0x48: {  	_ =	shalt  }
0x49: {  	_ =	shalt  }
0x4a: {  	_ =	shalt  }
0x4b: {  	_ =	shalt  }
0x4c: {  	_ =	shalt  }
0x4d: {  	_ =	shalt  }
0x4e: {  	_ =	shalt  }
0x4f: {  	_ =	shalt  }
0x50: {  	_ =	shalt  }
0x51: {  	_ =	shalt  }
0x52: {  	_ =	shalt  }
0x53: {  	_ =	shalt  }
0x54: {  	_ =	shalt  }
0x55: {  	_ =	shalt  }
0x56: {  	_ =	shalt  }
0x57: {  	_ =	shalt  }
0x58: {  	_ =	shalt  }
0x59: {  	_ =	shalt  }
0x5a: {  	_ =	shalt  }
0x5b: {  	_ =	shalt  }
0x5c: {  	_ =	shalt  }
0x5d: {  	_ =	shalt  }
0x5e: {  	_ =	shalt  }
0x5f: {  	_ =	shalt  }
0x60: {  	_ =	shalt  }
0x61: {  	_ =	shalt  }
0x62: {  	_ =	shalt  }
0x63: {  	_ =	shalt  }
0x64: {  	_ =	shalt  }
0x65: {  	_ =	shalt  }
0x66: {  	_ =	shalt  }
0x67: {  	_ =	shalt  }
0x68: {  	_ =	shalt  }
0x69: {  	_ =	shalt  }
0x6a: {  	_ =	shalt  }
0x6b: {  	_ =	shalt  }
0x6c: {  	_ =	shalt  }
0x6d: {  	_ =	shalt  }
0x6e: {  	_ =	shalt  }
0x6f: {  	_ =	shalt  }
0x70: {  	_ =	shalt  }
0x71: {  	_ =	shalt  }
0x72: {  	_ =	shalt  }
0x73: {  	_ =	shalt  }
0x74: {  	_ =	shalt  }
0x75: {  	_ =	shalt  }
0x76: {  	_ =	shalt  }
0x77: {  	_ =	shalt  }
0x78: {  	_ =	shalt  }
0x79: {  	_ =	shalt  }
0x7a: {  	_ =	shalt  }
0x7b: {  	_ =	shalt  }
0x7c: {  	_ =	shalt  }
0x7d: {  	_ =	shalt  }
0x7e: {  	_ =	shalt  }
0x7f: {  	_ =	shalt  }
0x80: {  	_ =	shalt  }
0x81: {  	_ =	shalt  }
0x82: {  	_ =	shalt  }
0x83: {  	_ =	shalt  }
0x84: {  	_ =	shalt  }
0x85: {  	_ =	shalt  }
0x86: {  	_ =	shalt  }
0x87: {  	_ =	shalt  }
.Lfunc_end0:
.L_simem_size_0:
called_computation_lowered:
.L_overlay_start_0:
0x88: {  	s2 =	sld [smem:$0x3FD9]  }
0x89: {  	s3 =	sld [smem:$0x3FFE];
	_ =	sdelay $0x1  }
0x8a: {  	s1 =	srdreg.scid  }
0x8b: {  	s0 =	sand.u32 $0x1, s1  }
0x8c: {  	s14 =	sshll.u32 s0, $0xA;
	s2 =	sadd.s32 s3, s2  }
0x8d: {  	s2 =	sadd.s32 s2, s14  }
0x8e: {  	[smem:$0x3FC5] =	sst s2  }
0x8f: {  	_ = 	snop  }
0x90: {  	s2 =	sld [smem:$0x3FD0];
	_ =	sdelay $0x2  }
0x91: {  	s4 =	simm.s32 $0xA;
	s5 =	simm.s32 $0x10;
	s15 =	sld [smem:$0x3FC7]  }
0x92: {  	[smem:s5], [sflag:s4] =	dma.local [hbm:s2], $0x1  }
0x93: {  	_ =	swait.eq [sflag:s4], $0x1  }
0x94: {  	[sflag:s4] =	ssyncset.done $0x0  }
0x95: {  	[sflag:s4] =	ssyncadd.s32 $0xFFFFFFFF  }
0x96: {  	s16 =	sld [smem:$0x10];
	(tm) =	ssettm $0x1  }
0x97: {  	s17 =	sld [smem:$0x3FFB];
	_ =	sdelay $0x3  }
0x98: {  	_ =	strace s17  }
0x99: {  	s4 =	sld [smem:$0x3FFC];
	_ =	sdelay $0x3  }
0x9a: {  	_ =	strace s4  }
0x9b: {  	s4 =	sld [smem:$0x3FFD];
	_ =	sdelay $0x3  }
0x9c: {  	_ =	strace s4  }
0x9d: {  	_ =	strace $0x8FFFFFFF  }
0x9e: {  	s18 =	sld [smem:$0x3FDB];
	_ =	sdelay $0x1  }
0x9f: {  	s19 =	simm.s32 $_scs_section_size  }
0xa0: {  	s6 =	simm.s32 $_size__tile_overlayer_lowered;
	s7 =	simm.s32 $_tile_overlayer_lowered  }
0xa1: {  	s22 =	simm.s32 $0x1BFF;
	s21 =	sshll.u32 s7, $0x1;
	s4 =	sadd.s32 s19, s18  }
0xa2: {  	s8 =	simm.s32 $0x0;
	s20 =	sshll.u32 s6, $0x1;
	s6 =	sadd.s32 s21, s4  }
0xa3: {  	[timem:s8], [sflag:s22] =	dma.local [hbm:s6], s20  }
0xa4: {  	_ =	swait.ge [sflag:s22], s20  }
0xa5: {  	s5 =	ssub.s32 $0x0, s20;
	[sflag:s22] =	ssyncset.done $0x0  }
0xa6: {  	[sflag:s22] =	ssyncadd.s32 s5;
	_ =	sdelay $0x1  }
0xa7: {  	s23 =	simm.s32 $0x1B8B  }
0xa8: {  	_ =	swait.ge [sflag:s23], $0x1  }
0xa9: {  	[sflag:s23] =	ssyncset.done $0x0  }
0xaa: {  	s25 =	simm.s32 $0x1B8E;
	s24 =	sld [smem:$0x3FFE];
	[sflag:s23] =	ssyncadd.s32 $0xFFFFFFFF  }
0xab: {  	s26 =	simm.s32 $execute0_lowered;
	[smem:$0x3FD2] =	sst s25  }
0xac: {  	s6 =	sshll.u32 s26, $0x1;
	_ =	strace $0x80000046;
	[dreg:$0x1] =	wrdreg $0xFFFFFFFF  }
0xad: {  	s28 =	simm.s32 $_size_execute0_lowered;
	s4 =	sadd.s32 s4, s6;
	[dreg:$0x0] =	wrdreg $0x0  }
0xae: {  	s6 =	sshll.u32 s28, $0x1;
	[dreg:$0x2] =	wrdreg s4  }
0xaf: {  	[dreg:$0x3] =	wrdreg s6  }
0xb0: {  	[dreg:$0x4] =	wrdreg $0xC0  }
0xb1: {  	_ =	task [dreg:s8], $0x5FFFF  }
0xb2: {  	[dreg:$0x1] =	wrdreg $0xFFFFFFFF  }
0xb3: {  	[dreg:$0x0] =	wrdreg $0x60  }
0xb4: {  	[dreg:$0x2] =	wrdreg s24  }
0xb5: {  	[dreg:$0x3] =	wrdreg s15  }
0xb6: {  	[dreg:$0x4] =	wrdreg s16  }
0xb7: {  	[dreg:$0x5] =	wrdreg $0x9  }
0xb8: {  	_ =	task.clear_ibuf [dreg:s8], $0x6FFFF;
	_ =	strace $0x90000046  }
0xb9: {  	s29 =	simm.s32 $0x9;
	_ =	strace $0x80000048  }
0xba: {  	_ =	swait.ge [sflag:s29], $0x1  }
0xbb: {  	[sflag:s29] =	ssyncadd.s32 $0xFFFFFFFF  }
0xbc: {  	_ =	strace $0x90000048  }
0xbd: {  	_ =	sfence  }
0xbe: {  	s30 =	sld [smem:$0x0];
	_ =	sdelay $0x2  }
0xbf: {  	s31 =	sshll.u32 s1, $0xD;
	s1 =	sshrl.u32 s1, $0x2  }
0xc0: {  	s3 =	sand.u32 $0x4000, s31;
	s1 =	sadd.s32 s1, s30  }
0xc1: {  	s0 =	sor.u32 s3, s0;
	s1 =	sshll.u32 s1, $0x11  }
0xc2: {  	s0 =	sor.u32 s1, s0  }
0xc3: {  	s0 =	sadd.s32 $0x8F2B, s0  }
0xc4: {  	[sflag:s0] =	ssyncadd.remote.s32 $0x1  }
0xc5: {  	_ =	sfence.sel $0xFFFF  }
0xc6: {  	[dreg:$0x0] =	wrdreg $0xFFFFFFFF;
	(pc) =	sbr.abs _section_cstart, $3  }
0xc7: {  	[dreg:$0x1] =	wrdreg $0xFFFFFFFF  }
0xc8: {  	_ =	task.clear_ibuf [dreg:s8], $0x2FFFF;
	_ =	strace $0x9FFFFFFF  }
0xc9: {  	(tm) =	ssettm $0x7FFFFFFF  }
tec
execute0_lowered:
.L_overlay_start_1:
0x0: {  	(tag) =	ssettag $0x1  }
0x1: {  	s0 =	rddreg [dreg:$0x0];
	s1 =	srdreg.scid  }
0x2: {  	s8 =	stileid.u32;
	s2 =	rddreg [dreg:$0x1]  }
0x3: {  	s4 =	rddreg [dreg:$0x2];
	s13 =	simm.s32 $0xD00;
	s15 =	simm.s32 $0x9  }
0x4: {  	s16 =	simm.s32 $0x1100;
	s21 =	simm.s32 $0xC100;
	s22 =	simm.s32 $0xC900  }
0x5: {  	v0 =	vimm.s32 $0x2380;
	vm0 =	vcmask $0x300;
	s23 =	simm.s32 $0x1;
	s28 =	simm.s32 $0xE100;
	s29 =	simm.s32 $0xE900  }
0x6: {  	s30 =	simm.s32 $0xF100;
	s31 =	simm.s32 $0xF900;
	s11 =	simm.s32 $0x7;
	v0 =	vsel vm0, $0x0, v0;
	vm0 =	vcmask $0x704  }
0x7: {  	s17 =	simm.s32 $0x0;
	s1 =	sand.u32 $0x1, s1;
	s3 =	sshll.u32 s8, $0x1;
	v0 =	vsel vm0, $0x80, v0;
	vm0 =	vcmask $0xB08  }
0x8: {  	s9 =	sadd.s32 $0x800, s0;
	s10 =	smul.u32 $0x64000, s8;
	s5 =	sor.u32 s1, s3;
	v0 =	vsel vm0, $0x100, v0;
	vm0 =	vcmask $0xF0C  }
0x9: {  	s3 =	simm.s32 $0x0;
	s7 =	ssub.s32 $0x2, s1;
	s1 =	smul.u32 $0x32000, s1;
	v0 =	vsel vm0, $0x180, v0;
	vm0 =	vcmask $0x1310  }
0xa: {  	s8 =	sadd.s32 $0x200, s2;
	s6 =	smul.u32 $0x640, s5;
	[smem:$0x7FF] =	sst s3;
	v0 =	vsel vm0, $0x200, v0;
	vm0 =	vcmask $0x1714  }
0xb: {  	s5 =	sshll.u32 s5, $0x4;
	s24 =	sshrl.u32 s7, $0x1;
	s4 =	sadd.s32 s10, s4;
	v0 =	vsel vm0, $0x280, v0;
	vm0 =	vcmask $0x1B18  }
0xc: {  	s10 =	simm.s32 $0x4;
	_ =	strace $0x80000047;
	[dreg:$0x4] =	wrdreg s9;
	v0 =	vsel vm0, $0x300, v0;
	vm0 =	vcmask $0x1F1C  }
0xd: {  	s9 =	sadd.s32 $0x300, s2;
	s12 =	sadd.s32 s1, s4;
	s6 =	sshrl.u32 s6, $0x3;
	v0 =	vsel vm0, $0x380, v0;
	vm0 =	vcmask $0x2320  }
0xe: {  	s1 =	simm.s32 $0x10100;
	s4 =	simm.s32 $0x10900;
	s6 =	sadd.s32 s6, s0;
	v1 =	vsel vm0, $0x2000, v0;
	vm0 =	vcmask $0x2724  }
0xf: {  	v3 =	vlaneseq.u32;
	s0 =	sadd.s32 s5, s0;
	s5 =	ssub.s32 s7, s24;
	s25 =	sadd.s32 $0xA00, s6;
	v1 =	vsel vm0, $0x2080, v1;
	vm0 =	vcmask $0x2B28  }
.Ltmp0:
0x10: {  	vm1 =	vcmask $0x3B38;
	s6 =	sadd.s32 $0x2400, s6;
	[dreg:$0x5] =	wrdreg s25;
	v2 =	vsel vm0, $0x2100, v1;
	vm0 =	vcmask $0x2F2C;
	(pc) =	sbr.rel .LBB2_1-.Ltmp0, $4  }
0x11: {  	v4 =	vshrl.u32 v3, $0x3;
	s7 =	sadd.s32 $0x100, s2;
	s0 =	sadd.s32 $0x3E00, s0;
	[dreg:$0x6] =	wrdreg s6;
	v2 =	vsel vm0, $0x2180, v2;
	vm0 =	vcmask $0x3330  }
0x12: {  	s24 =	simm.s32 $0x5100;
	s26 =	smax.u32 s5, $0x1;
	[dreg:$0x7] =	wrdreg s0;
	v0 =	vimm.f32 $0.0e+00;
	v5 =	vsel vm0, $0x2200, v2;
	vm0 =	vcmask $0x3734  }
0x13: {  	s5 =	simm.s32 $0x2;
	[dreg:$0x8] =	wrdreg s26;
	s0 =	simm.s32 $0x9100;
	v1 =	vand.u32 $0x7, v3;
	v2 =	vmul.u32 $0x8, v4;
	v4 =	vsel vm0, $0x2280, v5  }
0x14: {  	s25 =	simm.s32 $0xD100;
	s26 =	simm.s32 $0xD900;
	s6 =	simm.s32 $0x3;
	v3 =	vor.u32 $0x8, v3;
	vm0 =	vmmov $0xffff;
	v4 =	vsel vm1, $0x2300, v4  }
.LBB2_4:
0x15: {  	s14 =	simm.s32 $0x5  }
0x16: {  	_ =	swait.ge [sflag:s14], $0x4000  }
0x17: {  	[sflag:s14] =	ssyncset.done $0x0  }
0x18: {  	s17 =	simm.s32 $0x6;
	[sflag:s14] =	ssyncadd.s32 $0xFFFFC000  }
0x19: {  	_ =	swait.ge [sflag:s17], $0x4000  }
0x1a: {  	[sflag:s17] =	ssyncset.done $0x0  }
0x1b: {  	[sflag:s17] =	ssyncadd.s32 $0xFFFFC000  }
0x1c: {  	_ =	swait.ge [sflag:s11], $0x4000  }
0x1d: {  	[sflag:s11] =	ssyncset.done $0x0  }
0x1e: {  	s18 =	simm.s32 $0x8;
	[sflag:s11] =	ssyncadd.s32 $0xFFFFC000  }
0x1f: {  	_ =	swait.ge [sflag:s18], $0x4000  }
0x20: {  	[sflag:s18] =	ssyncset.done $0x0  }
0x21: {  	s15 =	simm.s32 $0x11100;
	s19 =	rddreg [dreg:$0x7];
	[sflag:s18] =	ssyncadd.s32 $0xFFFFC000  }
0x22: {  	[hbm4b:s19+s3] =	stream.linear.scatter [tilespmem:s15], [sflag:$0x9], $0x80, $0x38;
	[tilespmem:$0x11180] =	vst v63  }
0x23: {  	s15 =	simm.s32 $0x9  }
0x24: {  	_ =	swait.ge [sflag:s15], $0x80  }
0x25: {  	s17 =	rddreg [dreg:$0x9]  }
0x26: {  	s20 =	rddreg [dreg:$0x8];
	s17 =	sadd.s32 $0x1, s17  }
0x27: {  	p0 =	sne.s32 s17, s20  }
.Ltmp1:
0x28: {  	_ = 	snop;
	(pc) =	sbr.rel @!p0 .LBB2_5-.Ltmp1, $3  }
0x29: {  	_ =	sdelay $0x1  }
0x2a: {  	[sflag:s15] =	ssyncset.done $0x0  }
0x2b: {  	[sflag:s15] =	ssyncadd.s32 $0xFFFFFF80  }
.LBB2_1:
0x2c: {  	[dreg:$0x9] =	wrdreg s17  }
0x2d: {  	s14 =	rddreg [dreg:$0x4]  }
0x2e: {  	[tilespmem:s13], [sflag:$0x9] =	stream.linear.gather [hbm4b:s14+s3], $0x400, $0x38;
	[tilespmem:$0x11180] =	vst v63  }
0x2f: {  	_ =	swait.ge [sflag:s15], $0x400  }
0x30: {  	[sflag:s15] =	ssyncset.done $0x0  }
0x31: {  	s18 =	rddreg [dreg:$0x5];
	[sflag:s15] =	ssyncadd.s32 $0xFFFFFC00  }
0x32: {  	[tilespmem:s3], [sflag:$0x9] =	stream.linear.gather [hbm4b:s18+s3], $0x640, $0x38;
	[tilespmem:$0x11180] =	vst v63  }
0x33: {  	_ =	swait.ge [sflag:s15], $0x640  }
0x34: {  	[sflag:s15] =	ssyncset.done $0x0  }
0x35: {  	s20 =	simm.s32 $0x680;
	s19 =	rddreg [dreg:$0x6];
	[sflag:s15] =	ssyncadd.s32 $0xFFFFF9C0  }
0x36: {  	[tilespmem:s20], [sflag:$0x9] =	stream.linear.gather [hbm4b:s19+s3], $0x640, $0x38;
	[tilespmem:$0x11180] =	vst v63  }
0x37: {  	_ =	swait.ge [sflag:s15], $0x640  }
0x38: {  	[sflag:s15] =	ssyncset.done $0x0  }
0x39: {  	[sflag:s15] =	ssyncadd.s32 $0xFFFFF9C0  }
0x3a: {  	v5 =	vld [tilespmem:$0x0];
	_ =	sdelay $0x4  }
0x3b: {  	v6 =	vshll.u32 v5, $0x3  }
0x3c: {  	v5 =	vand.u32 $0x7, v5;
	v6 =	vand.u32 $0xFFFFFFC0, v6  }
0x3d: {  	v5 =	vor.u32 v5, v6  }
0x3e: {  	v6 =	vperm.xlane v5, v1;
	_ =	sdelay $0x1  }
0x3f: {  	v6 =	vadd.s32 v2, v6;
	_ =	sdelay $0x3  }
0x40: {  	[tilespmem:$0x11100] =	vst v0  }
0x41: {  	[tilespmem:s16], [sflag:$0x1] =	stream.indirect_vreg.gather [hbm4b:s2+s3], $0x80, v6, vm0, $0xb8;
	[tilespmem:$0x11180] =	vst v63  }
0x42: {  	s17 =	simm.s32 $0x1900;
	v5 =	vperm.xlane v5, v3  }
0x43: {  	[tilespmem:s17], [sflag:$0x1] =	stream.indirect_vreg.gather [hbm4b:s7+s3], $0x80, v6, vm0, $0xb8;
	[tilespmem:$0x11180] =	vst v63  }
0x44: {  	s18 =	simm.s32 $0x2100;
	v5 =	vadd.s32 v2, v5  }
0x45: {  	[tilespmem:s18], [sflag:$0x1] =	stream.indirect_vreg.gather [hbm4b:s8+s3], $0x80, v6, vm0, $0xb8;
	[tilespmem:$0x11180] =	vst v63  }
0x46: {  	s19 =	simm.s32 $0x2900  }
0x47: {  	[tilespmem:s19], [sflag:$0x1] =	stream.indirect_vreg.gather [hbm4b:s9+s3], $0x80, v6, vm0, $0xb8;
	[tilespmem:$0x11180] =	vst v63  }
0x48: {  	s20 =	simm.s32 $0x3100  }
0x49: {  	[tilespmem:s20], [sflag:$0x1] =	stream.indirect_vreg.gather [hbm4b:s2+s3], $0x80, v5, vm0, $0xb8;
	[tilespmem:$0x11180] =	vst v63  }
0x4a: {  	s15 =	simm.s32 $0x3900  }
0x4b: {  	[tilespmem:s15], [sflag:$0x1] =	stream.indirect_vreg.gather [hbm4b:s7+s3], $0x80, v5, vm0, $0xb8;
	[tilespmem:$0x11180] =	vst v63  }
0x4c: {  	s17 =	simm.s32 $0x4100  }
0x4d: {  	[tilespmem:s17], [sflag:$0x1] =	stream.indirect_vreg.gather [hbm4b:s8+s3], $0x80, v5, vm0, $0xb8;
	[tilespmem:$0x11180] =	vst v63  }
0x4e: {  	s18 =	simm.s32 $0x4900  }
0x4f: {  	[tilespmem:s18], [sflag:$0x1] =	stream.indirect_vreg.gather [hbm4b:s9+s3], $0x80, v5, vm0, $0xb8;
	[tilespmem:$0x11180] =	vst v63  }
0x50: {  	v5 =	vld [tilespmem:$0x10];
	_ =	sdelay $0x4  }
0x51: {  	v6 =	vshll.u32 v5, $0x3  }
0x52: {  	v5 =	vand.u32 $0x7, v5;
	v6 =	vand.u32 $0xFFFFFFC0, v6  }
0x53: {  	v5 =	vor.u32 v5, v6  }
0x54: {  	v6 =	vperm.xlane v5, v1;
	_ =	sdelay $0x1  }
0x55: {  	v6 =	vadd.s32 v2, v6;
	_ =	sdelay $0x4  }
0x56: {  	[tilespmem:s24], [sflag:$0x2] =	stream.indirect_vreg.gather [hbm4b:s2+s3], $0x80, v6, vm0, $0xb8;
	[tilespmem:$0x11180] =	vst v63  }
0x57: {  	s19 =	simm.s32 $0x5900;
	v5 =	vperm.xlane v5, v3  }
0x58: {  	[tilespmem:s19], [sflag:$0x2] =	stream.indirect_vreg.gather [hbm4b:s7+s3], $0x80, v6, vm0, $0xb8;
	[tilespmem:$0x11180] =	vst v63  }
0x59: {  	s20 =	simm.s32 $0x6100;
	v5 =	vadd.s32 v2, v5  }
0x5a: {  	[tilespmem:s20], [sflag:$0x2] =	stream.indirect_vreg.gather [hbm4b:s8+s3], $0x80, v6, vm0, $0xb8;
	[tilespmem:$0x11180] =	vst v63  }
0x5b: {  	s15 =	simm.s32 $0x6900  }
0x5c: {  	[tilespmem:s15], [sflag:$0x2] =	stream.indirect_vreg.gather [hbm4b:s9+s3], $0x80, v6, vm0, $0xb8;
	[tilespmem:$0x11180] =	vst v63  }
0x5d: {  	s17 =	simm.s32 $0x7100  }
0x5e: {  	[tilespmem:s17], [sflag:$0x2] =	stream.indirect_vreg.gather [hbm4b:s2+s3], $0x80, v5, vm0, $0xb8;
	[tilespmem:$0x11180] =	vst v63  }
0x5f: {  	s18 =	simm.s32 $0x7900  }
0x60: {  	[tilespmem:s18], [sflag:$0x2] =	stream.indirect_vreg.gather [hbm4b:s7+s3], $0x80, v5, vm0, $0xb8;
	[tilespmem:$0x11180] =	vst v63  }
0x61: {  	s19 =	simm.s32 $0x8100  }
0x62: {  	[tilespmem:s19], [sflag:$0x2] =	stream.indirect_vreg.gather [hbm4b:s8+s3], $0x80, v5, vm0, $0xb8;
	[tilespmem:$0x11180] =	vst v63  }
0x63: {  	s20 =	simm.s32 $0x8900  }
0x64: {  	[tilespmem:s20], [sflag:$0x2] =	stream.indirect_vreg.gather [hbm4b:s9+s3], $0x80, v5, vm0, $0xb8;
	[tilespmem:$0x11180] =	vst v63  }
0x65: {  	v5 =	vld [tilespmem:$0x20];
	_ =	sdelay $0x4  }
0x66: {  	v6 =	vshll.u32 v5, $0x3  }
0x67: {  	v5 =	vand.u32 $0x7, v5;
	v6 =	vand.u32 $0xFFFFFFC0, v6  }
0x68: {  	v5 =	vor.u32 v5, v6  }
0x69: {  	v6 =	vperm.xlane v5, v1;
	_ =	sdelay $0x1  }
0x6a: {  	v6 =	vadd.s32 v2, v6;
	_ =	sdelay $0x4  }
0x6b: {  	[tilespmem:s0], [sflag:$0x3] =	stream.indirect_vreg.gather [hbm4b:s2+s3], $0x80, v6, vm0, $0xb8;
	[tilespmem:$0x11180] =	vst v63  }
0x6c: {  	s15 =	simm.s32 $0x9900;
	v5 =	vperm.xlane v5, v3  }
0x6d: {  	[tilespmem:s15], [sflag:$0x3] =	stream.indirect_vreg.gather [hbm4b:s7+s3], $0x80, v6, vm0, $0xb8;
	[tilespmem:$0x11180] =	vst v63  }
0x6e: {  	s17 =	simm.s32 $0xA100;
	v5 =	vadd.s32 v2, v5  }
0x6f: {  	[tilespmem:s17], [sflag:$0x3] =	stream.indirect_vreg.gather [hbm4b:s8+s3], $0x80, v6, vm0, $0xb8;
	[tilespmem:$0x11180] =	vst v63  }
0x70: {  	s18 =	simm.s32 $0xA900  }
0x71: {  	[tilespmem:s18], [sflag:$0x3] =	stream.indirect_vreg.gather [hbm4b:s9+s3], $0x80, v6, vm0, $0xb8;
	[tilespmem:$0x11180] =	vst v63  }
0x72: {  	s19 =	simm.s32 $0xB100  }
0x73: {  	[tilespmem:s19], [sflag:$0x3] =	stream.indirect_vreg.gather [hbm4b:s2+s3], $0x80, v5, vm0, $0xb8;
	[tilespmem:$0x11180] =	vst v63  }
0x74: {  	s20 =	simm.s32 $0xB900  }
0x75: {  	[tilespmem:s20], [sflag:$0x3] =	stream.indirect_vreg.gather [hbm4b:s7+s3], $0x80, v5, vm0, $0xb8;
	[tilespmem:$0x11180] =	vst v63  }
0x76: {  	_ = 	snop  }
0x77: {  	[tilespmem:s21], [sflag:$0x3] =	stream.indirect_vreg.gather [hbm4b:s8+s3], $0x80, v5, vm0, $0xb8;
	[tilespmem:$0x11180] =	vst v63  }
0x78: {  	s14 =	simm.s32 $0x6A0;
	s15 =	simm.s32 $0x30;
	s17 =	simm.s32 $0x0  }
0x79: {  	[tilespmem:s22], [sflag:$0x3] =	stream.indirect_vreg.gather [hbm4b:s9+s3], $0x80, v5, vm0, $0xb8;
	[tilespmem:$0x11180] =	vst v63  }
.LBB2_2:
0x7a: {  	_ =	swait.ge [sflag:s23], $0x4000  }
0x7b: {  	[sflag:s23] =	ssyncset.done $0x0  }
0x7c: {  	s18 =	sadd.s32 s17, s12;
	[sflag:s23] =	ssyncadd.s32 $0xFFFFC000  }
0x7d: {  	[hbm4b:s18+s3] =	stream.linear.scatter [tilespmem:s16], [sflag:$0x5], $0x4000, $0x38;
	[tilespmem:$0x11180] =	vst v63  }
0x7e: {  	v5 =	vld [tilespmem:s14+$0xFFFFFFE0];
	_ =	sdelay $0x3  }
0x7f: {  	v6 =	vld [tilespmem:s15+$0xFFFFFFD0]  }
0x80: {  	v7 =	vshll.u32 v5, $0x3  }
0x81: {  	v5 =	vand.u32 $0x7F, v5;
	v7 =	vand.u32 $0xFFFFFC00, v7  }
0x82: {  	v5 =	vor.u32 v5, v7  }
0x83: {  	v5 =	vadd.s32 v4, v5;
	_ =	sdelay $0x3  }
0x84: {  	v6 =	vld.idx.msk [tilespmem:v6+s13+$0x0], $0xffff  }
0x85: {  	v5 =	vld.idx.msk [tilespmem:v5+s16+$0x0], $0xffff;
	_ =	sdelay $0x1  }
0x86: {  	v7 =	vld [tilespmem:$0x11100];
	_ =	sdelay $0x2  }
0x87: {  	v5 =	vsub.f32 v6, v5;
	_ =	sdelay $0x1  }
0x88: {  	v5 =	vadd.f32 v5, v7  }
0x89: {  	p0 =	seq.s32 s17, $0x0  }
0x8a: {  	s19 =	simm.s32 @!p0 $0x8;
	[tilespmem:$0x11100] =	vst v5  }
0x8b: {  	_ =	swait.ge @!p0 [sflag:s19], $0x4000  }
0x8c: {  	[sflag:s19] =	ssyncset.done @!p0 $0x0  }
0x8d: {  	[sflag:s19] =	ssyncadd.s32 @!p0 $0xFFFFC000  }
0x8e: {  	v5 =	vld [tilespmem:s15+$0x0];
	_ =	sdelay $0x4  }
0x8f: {  	v6 =	vshll.u32 v5, $0x3  }
0x90: {  	v5 =	vand.u32 $0x7, v5;
	v6 =	vand.u32 $0xFFFFFFC0, v6  }
0x91: {  	v5 =	vor.u32 v5, v6  }
0x92: {  	v6 =	vperm.xlane v5, v1;
	_ =	sdelay $0x1  }
0x93: {  	v6 =	vadd.s32 v2, v6;
	_ =	sdelay $0x4  }
0x94: {  	[tilespmem:s25], [sflag:$0x4] =	stream.indirect_vreg.gather [hbm4b:s2+s3], $0x80, v6, vm0, $0xb8;
	[tilespmem:$0x11180] =	vst v63  }
0x95: {  	v5 =	vperm.xlane v5, v3  }
0x96: {  	[tilespmem:s26], [sflag:$0x4] =	stream.indirect_vreg.gather [hbm4b:s7+s3], $0x80, v6, vm0, $0xb8;
	[tilespmem:$0x11180] =	vst v63  }
0x97: {  	v5 =	vadd.s32 v2, v5  }
0x98: {  	[tilespmem:s28], [sflag:$0x4] =	stream.indirect_vreg.gather [hbm4b:s8+s3], $0x80, v6, vm0, $0xb8;
	[tilespmem:$0x11180] =	vst v63  }
0x99: {  	_ = 	snop  }
0x9a: {  	[tilespmem:s29], [sflag:$0x4] =	stream.indirect_vreg.gather [hbm4b:s9+s3], $0x80, v6, vm0, $0xb8;
	[tilespmem:$0x11180] =	vst v63  }
0x9b: {  	_ = 	snop  }
0x9c: {  	[tilespmem:s30], [sflag:$0x4] =	stream.indirect_vreg.gather [hbm4b:s2+s3], $0x80, v5, vm0, $0xb8;
	[tilespmem:$0x11180] =	vst v63  }
0x9d: {  	_ = 	snop  }
0x9e: {  	[tilespmem:s31], [sflag:$0x4] =	stream.indirect_vreg.gather [hbm4b:s7+s3], $0x80, v5, vm0, $0xb8;
	[tilespmem:$0x11180] =	vst v63  }
0x9f: {  	_ = 	snop  }
0xa0: {  	[tilespmem:s1], [sflag:$0x4] =	stream.indirect_vreg.gather [hbm4b:s8+s3], $0x80, v5, vm0, $0xb8;
	[tilespmem:$0x11180] =	vst v63  }
0xa1: {  	_ = 	snop  }
0xa2: {  	[tilespmem:s4], [sflag:$0x4] =	stream.indirect_vreg.gather [hbm4b:s9+s3], $0x80, v5, vm0, $0xb8;
	[tilespmem:$0x11180] =	vst v63  }
0xa3: {  	_ =	swait.ge [sflag:s5], $0x4000  }
0xa4: {  	[sflag:s5] =	ssyncset.done $0x0  }
0xa5: {  	s20 =	sadd.s32 $0x800, s18;
	[sflag:s5] =	ssyncadd.s32 $0xFFFFC000  }
0xa6: {  	[hbm4b:s20+s3] =	stream.linear.scatter [tilespmem:s24], [sflag:$0x6], $0x4000, $0x38;
	[tilespmem:$0x11180] =	vst v63  }
0xa7: {  	v5 =	vld [tilespmem:s14+$0xFFFFFFF0];
	_ =	sdelay $0x3  }
0xa8: {  	v6 =	vld [tilespmem:s15+$0xFFFFFFE0]  }
0xa9: {  	v7 =	vshll.u32 v5, $0x3  }
0xaa: {  	v5 =	vand.u32 $0x7F, v5;
	v7 =	vand.u32 $0xFFFFFC00, v7  }
0xab: {  	v5 =	vor.u32 v5, v7  }
0xac: {  	v5 =	vadd.s32 v4, v5;
	_ =	sdelay $0x3  }
0xad: {  	v6 =	vld.idx.msk [tilespmem:v6+s13+$0x0], $0xffff  }
0xae: {  	v5 =	vld.idx.msk [tilespmem:v5+s24+$0x0], $0xffff;
	_ =	sdelay $0x1  }
0xaf: {  	v7 =	vld [tilespmem:$0x11100];
	_ =	sdelay $0x2  }
0xb0: {  	v5 =	vsub.f32 v6, v5;
	_ =	sdelay $0x1  }
0xb1: {  	v5 =	vadd.f32 v5, v7  }
0xb2: {  	p0 =	seq.s32 s17, $0x30000  }
0xb3: {  	s19 =	simm.s32 @!p0 $0x5;
	[tilespmem:$0x11100] =	vst v5  }
0xb4: {  	_ =	swait.ge @!p0 [sflag:s19], $0x4000  }
0xb5: {  	[sflag:s19] =	ssyncset.done @!p0 $0x0  }
0xb6: {  	[sflag:s19] =	ssyncadd.s32 @!p0 $0xFFFFC000  }
0xb7: {  	v5 =	vld @!p0 [tilespmem:s15+$0x10];
	_ =	sdelay $0x4  }
0xb8: {  	v6 =	vshll.u32 @!p0 v5, $0x3  }
0xb9: {  	v7 =	vlaneseq.u32 @!p0;
	v5 =	vand.u32 @!p0 $0x7, v5;
	v6 =	vand.u32 @!p0 $0xFFFFFFC0, v6  }
0xba: {  	v8 =	vshrl.u32 @!p0 v7, $0x3;
	v5 =	vor.u32 @!p0 v5, v6;
	v6 =	vand.u32 @!p0 $0x7, v7  }
0xbb: {  	v8 =	vmul.u32 @!p0 $0x8, v8;
	v9 =	vperm.xlane @!p0 v5, v6;
	_ =	sdelay $0x1  }
0xbc: {  	v9 =	vadd.s32 @!p0 v8, v9;
	_ =	sdelay $0x3  }
0xbd: {  	vm1 =	vmmov @!p0 $0xffff;
	s20 =	simm.s32 @!p0 $0x1100;
	s19 =	simm.s32 @!p0 $0x0  }
0xbe: {  	v7 =	vor.u32 @!p0 $0x8, v7;
	[tilespmem:s20], [sflag:$0x1] =	stream.indirect_vreg.gather @!p0 [hbm4b:s2+s19], $0x80, v9, vm1, $0xb8;
	[tilespmem:$0x11180] =	vst v63  }
0xbf: {  	v5 =	vperm.xlane @!p0 v5, v7;
	s20 =	simm.s32 @!p0 $0x1900  }
0xc0: {  	[tilespmem:s20], [sflag:$0x1] =	stream.indirect_vreg.gather @!p0 [hbm4b:s7+s19], $0x80, v9, vm1, $0xb8;
	[tilespmem:$0x11180] =	vst v63  }
0xc1: {  	v5 =	vadd.s32 @!p0 v8, v5;
	s20 =	simm.s32 @!p0 $0x2100  }
0xc2: {  	[tilespmem:s20], [sflag:$0x1] =	stream.indirect_vreg.gather @!p0 [hbm4b:s8+s19], $0x80, v9, vm1, $0xb8;
	[tilespmem:$0x11180] =	vst v63  }
0xc3: {  	s20 =	simm.s32 @!p0 $0x2900  }
0xc4: {  	[tilespmem:s20], [sflag:$0x1] =	stream.indirect_vreg.gather @!p0 [hbm4b:s9+s19], $0x80, v9, vm1, $0xb8;
	[tilespmem:$0x11180] =	vst v63  }
0xc5: {  	s20 =	simm.s32 @!p0 $0x3100  }
0xc6: {  	[tilespmem:s20], [sflag:$0x1] =	stream.indirect_vreg.gather @!p0 [hbm4b:s2+s19], $0x80, v5, vm1, $0xb8;
	[tilespmem:$0x11180] =	vst v63  }
0xc7: {  	s20 =	simm.s32 @!p0 $0x3900  }
0xc8: {  	[tilespmem:s20], [sflag:$0x1] =	stream.indirect_vreg.gather @!p0 [hbm4b:s7+s19], $0x80, v5, vm1, $0xb8;
	[tilespmem:$0x11180] =	vst v63  }
0xc9: {  	s20 =	simm.s32 @!p0 $0x4100  }
0xca: {  	[tilespmem:s20], [sflag:$0x1] =	stream.indirect_vreg.gather @!p0 [hbm4b:s8+s19], $0x80, v5, vm1, $0xb8;
	[tilespmem:$0x11180] =	vst v63  }
0xcb: {  	s20 =	simm.s32 @!p0 $0x4900  }
0xcc: {  	[tilespmem:s20], [sflag:$0x1] =	stream.indirect_vreg.gather @!p0 [hbm4b:s9+s19], $0x80, v5, vm1, $0xb8;
	[tilespmem:$0x11180] =	vst v63  }
0xcd: {  	_ =	swait.ge [sflag:s6], $0x4000  }
0xce: {  	[sflag:s6] =	ssyncset.done $0x0  }
0xcf: {  	s20 =	sadd.s32 $0x1000, s18;
	[sflag:s6] =	ssyncadd.s32 $0xFFFFC000  }
0xd0: {  	[hbm4b:s20+s3] =	stream.linear.scatter [tilespmem:s0], [sflag:$0x7], $0x4000, $0x38;
	[tilespmem:$0x11180] =	vst v63  }
0xd1: {  	v5 =	vld [tilespmem:s14+$0x0];
	_ =	sdelay $0x3  }
0xd2: {  	v62 =	vld [tilespmem:s15+$0xFFFFFFF0]  }
0xd3: {  	v10 =	vshll.u32 v5, $0x3  }
0xd4: {  	v5 =	vand.u32 $0x7F, v5;
	v10 =	vand.u32 $0xFFFFFC00, v10  }
0xd5: {  	v5 =	vor.u32 v5, v10  }
0xd6: {  	v5 =	vadd.s32 v4, v5;
	_ =	sdelay $0x3  }
0xd7: {  	v9 =	vld.idx.msk [tilespmem:v62+s13+$0x0], $0xffff  }
0xd8: {  	v5 =	vld.idx.msk [tilespmem:v5+s0+$0x0], $0xffff;
	_ =	sdelay $0x1  }
0xd9: {  	v63 =	vld [tilespmem:$0x11100];
	_ =	sdelay $0x2  }
0xda: {  	v5 =	vsub.f32 v9, v5;
	_ =	sdelay $0x1  }
0xdb: {  	v5 =	vadd.f32 v5, v63;
	_ =	sdelay $0x1  }
0xdc: {  	s20 =	simm.s32 @!p0 $0x6;
	[tilespmem:$0x11100] =	vst v5  }
0xdd: {  	_ =	swait.ge @!p0 [sflag:s20], $0x4000  }
0xde: {  	[sflag:s20] =	ssyncset.done @!p0 $0x0  }
0xdf: {  	[sflag:s20] =	ssyncadd.s32 @!p0 $0xFFFFC000  }
0xe0: {  	v5 =	vld @!p0 [tilespmem:s15+$0x20];
	_ =	sdelay $0x4  }
0xe1: {  	v9 =	vshll.u32 @!p0 v5, $0x3  }
0xe2: {  	v5 =	vand.u32 @!p0 $0x7, v5;
	v9 =	vand.u32 @!p0 $0xFFFFFFC0, v9  }
0xe3: {  	v5 =	vor.u32 @!p0 v5, v9  }
0xe4: {  	v6 =	vperm.xlane @!p0 v5, v6;
	_ =	sdelay $0x1  }
0xe5: {  	v6 =	vadd.s32 @!p0 v8, v6;
	_ =	sdelay $0x3  }
0xe6: {  	s20 =	simm.s32 @!p0 $0x5100  }
0xe7: {  	[tilespmem:s20], [sflag:$0x2] =	stream.indirect_vreg.gather @!p0 [hbm4b:s2+s19], $0x80, v6, vm1, $0xb8;
	[tilespmem:$0x11180] =	vst v63  }
0xe8: {  	v5 =	vperm.xlane @!p0 v5, v7;
	s20 =	simm.s32 @!p0 $0x5900  }
0xe9: {  	[tilespmem:s20], [sflag:$0x2] =	stream.indirect_vreg.gather @!p0 [hbm4b:s7+s19], $0x80, v6, vm1, $0xb8;
	[tilespmem:$0x11180] =	vst v63  }
0xea: {  	v5 =	vadd.s32 @!p0 v8, v5;
	s20 =	simm.s32 @!p0 $0x6100  }
0xeb: {  	[tilespmem:s20], [sflag:$0x2] =	stream.indirect_vreg.gather @!p0 [hbm4b:s8+s19], $0x80, v6, vm1, $0xb8;
	[tilespmem:$0x11180] =	vst v63  }
0xec: {  	s20 =	simm.s32 @!p0 $0x6900  }
0xed: {  	[tilespmem:s20], [sflag:$0x2] =	stream.indirect_vreg.gather @!p0 [hbm4b:s9+s19], $0x80, v6, vm1, $0xb8;
	[tilespmem:$0x11180] =	vst v63  }
0xee: {  	s20 =	simm.s32 @!p0 $0x7100  }
0xef: {  	[tilespmem:s20], [sflag:$0x2] =	stream.indirect_vreg.gather @!p0 [hbm4b:s2+s19], $0x80, v5, vm1, $0xb8;
	[tilespmem:$0x11180] =	vst v63  }
0xf0: {  	s20 =	simm.s32 @!p0 $0x7900  }
0xf1: {  	[tilespmem:s20], [sflag:$0x2] =	stream.indirect_vreg.gather @!p0 [hbm4b:s7+s19], $0x80, v5, vm1, $0xb8;
	[tilespmem:$0x11180] =	vst v63  }
0xf2: {  	s20 =	simm.s32 @!p0 $0x8100  }
0xf3: {  	[tilespmem:s20], [sflag:$0x2] =	stream.indirect_vreg.gather @!p0 [hbm4b:s8+s19], $0x80, v5, vm1, $0xb8;
	[tilespmem:$0x11180] =	vst v63  }
0xf4: {  	s20 =	simm.s32 @!p0 $0x8900  }
0xf5: {  	[tilespmem:s20], [sflag:$0x2] =	stream.indirect_vreg.gather @!p0 [hbm4b:s9+s19], $0x80, v5, vm1, $0xb8;
	[tilespmem:$0x11180] =	vst v63  }
0xf6: {  	_ =	swait.ge [sflag:s10], $0x4000  }
0xf7: {  	[sflag:s10] =	ssyncset.done $0x0  }
0xf8: {  	s18 =	sadd.s32 $0x1800, s18;
	[sflag:s10] =	ssyncadd.s32 $0xFFFFC000  }
0xf9: {  	[hbm4b:s18+s3] =	stream.linear.scatter [tilespmem:s25], [sflag:$0x8], $0x4000, $0x38;
	[tilespmem:$0x11180] =	vst v63  }
0xfa: {  	v5 =	vld [tilespmem:s14+$0x10];
	_ =	sdelay $0x3  }
0xfb: {  	v6 =	vld [tilespmem:s15+$0x0]  }
0xfc: {  	v7 =	vshll.u32 v5, $0x3  }
0xfd: {  	v5 =	vand.u32 $0x7F, v5;
	v7 =	vand.u32 $0xFFFFFC00, v7  }
0xfe: {  	v5 =	vor.u32 v5, v7  }
0xff: {  	v5 =	vadd.s32 v4, v5;
	_ =	sdelay $0x3  }
0x100: {  	v6 =	vld.idx.msk [tilespmem:v6+s13+$0x0], $0xffff  }
0x101: {  	v5 =	vld.idx.msk [tilespmem:v5+s25+$0x0], $0xffff;
	_ =	sdelay $0x1  }
0x102: {  	v7 =	vld [tilespmem:$0x11100];
	_ =	sdelay $0x2  }
.Ltmp2:
0x103: {  	v5 =	vsub.f32 v6, v5;
	(pc) =	sbr.rel @p0 .LBB2_4-.Ltmp2, $3  }
0x104: {  	_ = 	snop  }
0x105: {  	v5 =	vadd.f32 v5, v7;
	_ =	sdelay $0x1  }
0x106: {  	[tilespmem:$0x11100] =	vst v5  }
0x107: {  	_ =	swait.ge [sflag:s11], $0x4000  }
0x108: {  	[sflag:s11] =	ssyncset.done $0x0  }
0x109: {  	[sflag:s11] =	ssyncadd.s32 $0xFFFFC000  }
0x10a: {  	v5 =	vld [tilespmem:s15+$0x30];
	_ =	sdelay $0x4  }
0x10b: {  	v6 =	vshll.u32 v5, $0x3  }
0x10c: {  	v5 =	vand.u32 $0x7, v5;
	v6 =	vand.u32 $0xFFFFFFC0, v6  }
0x10d: {  	v5 =	vor.u32 v5, v6  }
0x10e: {  	v6 =	vperm.xlane v5, v1;
	_ =	sdelay $0x1  }
0x10f: {  	v6 =	vadd.s32 v2, v6;
	_ =	sdelay $0x4  }
0x110: {  	[tilespmem:s0], [sflag:$0x3] =	stream.indirect_vreg.gather [hbm4b:s2+s3], $0x80, v6, vm0, $0xb8;
	[tilespmem:$0x11180] =	vst v63  }
0x111: {  	s18 =	simm.s32 $0x9900;
	v5 =	vperm.xlane v5, v3  }
0x112: {  	[tilespmem:s18], [sflag:$0x3] =	stream.indirect_vreg.gather [hbm4b:s7+s3], $0x80, v6, vm0, $0xb8;
	[tilespmem:$0x11180] =	vst v63  }
0x113: {  	s19 =	simm.s32 $0xA100;
	v5 =	vadd.s32 v2, v5  }
0x114: {  	[tilespmem:s19], [sflag:$0x3] =	stream.indirect_vreg.gather [hbm4b:s8+s3], $0x80, v6, vm0, $0xb8;
	[tilespmem:$0x11180] =	vst v63  }
0x115: {  	s20 =	simm.s32 $0xA900  }
0x116: {  	[tilespmem:s20], [sflag:$0x3] =	stream.indirect_vreg.gather [hbm4b:s9+s3], $0x80, v6, vm0, $0xb8;
	[tilespmem:$0x11180] =	vst v63  }
0x117: {  	s19 =	simm.s32 $0xB100  }
0x118: {  	[tilespmem:s19], [sflag:$0x3] =	stream.indirect_vreg.gather [hbm4b:s2+s3], $0x80, v5, vm0, $0xb8;
	[tilespmem:$0x11180] =	vst v63  }
0x119: {  	s20 =	simm.s32 $0xB900  }
0x11a: {  	[tilespmem:s20], [sflag:$0x3] =	stream.indirect_vreg.gather [hbm4b:s7+s3], $0x80, v5, vm0, $0xb8;
	[tilespmem:$0x11180] =	vst v63  }
.Ltmp3:
0x11b: {  	_ = 	snop;
	(pc) =	sbr.rel .LBB2_2-.Ltmp3, $4  }
0x11c: {  	_ = 	snop  }
0x11d: {  	[tilespmem:s21], [sflag:$0x3] =	stream.indirect_vreg.gather [hbm4b:s8+s3], $0x80, v5, vm0, $0xb8;
	[tilespmem:$0x11180] =	vst v63  }
0x11e: {  	s17 =	sadd.s32 $0x2000, s17;
	s14 =	sadd.s32 $0x40, s14;
	s15 =	sadd.s32 $0x40, s15  }
0x11f: {  	[tilespmem:s22], [sflag:$0x3] =	stream.indirect_vreg.gather [hbm4b:s9+s3], $0x80, v5, vm0, $0xb8;
	[tilespmem:$0x11180] =	vst v63  }
.LBB2_5:
0x120: {  	_ =	sfence.sel $0x180000  }
0x121: {  	[bflag:$0x0] =	sbarrier.arrive $0xFFFF  }
0x122: {  	_ =	strace $0x90000047  }
0x123: {  	s0 =	stileid.u32;
	[bflag:$0x2] =	sbarrier.arrive $0xFFFF  }
0x124: {  	p0 =	sne.s32 s0, $0x0;
	s0 =	rddreg [dreg:$0x3]  }
0x125: {  	s0 =	sadd.s32 @!p0 $0x100000, s0  }
0x126: {  	[sflag:s0] =	ssyncadd.tile.s32 @!p0 $0x1;
	_ =	shalt  }
.Lfunc_end2:
_tile_overlayer_lowered:
.L_overlay_start_2:
0x127: {  	(tag) =	ssettag $0x2  }
0x128: {  	s0 =	rddreg [dreg:$0x0];
	s2 =	stileid.u32  }
0x129: {  	s1 =	rddreg [dreg:$0x1];
	p0 =	sne.s32 s2, $0x0  }
0x12a: {  	s3 =	rddreg [dreg:$0x2];
	[bflag:$0x3] =	sbarrier.arrive $0xFFFF;
	s2 =	simm.s32 @!p0 $0x1C09  }
0x12b: {  	[timem:s3], [sflag:s2] =	dma.local @!p0 [hbm:s0], s1  }
0x12c: {  	s0 =	simm.s32 @!p0 $0x9  }
0x12d: {  	_ =	swait.ge @!p0 [sflag:s0], s1  }
0x12e: {  	s1 =	ssub.s32 @!p0 $0x0, s1;
	[sflag:s0] =	ssyncset.done @!p0 $0x0  }
0x12f: {  	[sflag:s0] =	ssyncadd.s32 @!p0 s1  }
0x130: {  	[bflag:$0x3] =	sbarrier.arrive $0xFFFF  }
0x131: {  	_ =	shalt  }

</sc_bundles>
